<compile_context>
chip_gen: v7x
topology: tpu7x:2x2x1
jax: 0.10.2.dev20260603
libtpu: 0.0.44.dev20260713+nightly
codegen_flags: <defaults>
</compile_context>

<pallas_src>
import functools

import jax
import jax.numpy as jnp
from jax import lax
from jax.experimental import pallas as pl
from jax.experimental.pallas import tpu as pltpu
from jax.experimental.pallas import tpu_sc as plsc

N_NODES = 10000
N_EDGES = 320000
D_EDGE = 16
D_FEAT = 128
D_U = 16

NC = 2
NS = 16
NW = NC * NS
LANES = 16

GROUP = 128
NGROUPS = N_EDGES // GROUP
G_PER_CHUNK = 13
FULL_CHUNKS = (NGROUPS // NW) // G_PER_CHUNK
BASE_GROUPS = NGROUPS // NW
REM_GROUPS = NGROUPS % NW
TABLE_ROWS = 10240
ROWS_PER_SUBCORE = TABLE_ROWS // NS

_sc_mesh = plsc.VectorSubcoreMesh(core_axis_name="c", subcore_axis_name="s")


@functools.partial(
    pl.kernel,
    out_type=jax.ShapeDtypeStruct((NC, 2, TABLE_ROWS, D_EDGE), jnp.float32),
    mesh=_sc_mesh,
    compiler_params=pltpu.CompilerParams(use_tc_tiling_on_sc=False),
    scratch_types=[
        pltpu.VMEM((G_PER_CHUNK, GROUP), jnp.int32),
        pltpu.VMEM((G_PER_CHUNK, GROUP), jnp.int32),
        pltpu.VMEM((G_PER_CHUNK * GROUP, D_EDGE), jnp.float32),
        pltpu.VMEM((ROWS_PER_SUBCORE, D_EDGE), jnp.float32),
        pltpu.VMEM_SHARED((TABLE_ROWS, D_EDGE), jnp.float32),
        pltpu.VMEM_SHARED((TABLE_ROWS, D_EDGE), jnp.float32),
        pltpu.SemaphoreType.DMA,
        pltpu.SemaphoreType.DMA,
    ],
)
def _sc_aggregate(idx_hbm, ea_hbm, out_hbm,
                  ri_v, ci_v, ea_v, z_v, trow_sh, tcol_sh, lsem, ssem):
    c = lax.axis_index("c")
    s = lax.axis_index("s")
    tile = c * NS + s

    @pl.loop(0, ROWS_PER_SUBCORE)
    def _(i):
        z_v[i, :] = jnp.zeros((LANES,), jnp.float32)

    zslc = pl.ds(s * ROWS_PER_SUBCORE, ROWS_PER_SUBCORE)
    pltpu.sync_copy(z_v, trow_sh.at[zslc])
    pltpu.sync_copy(z_v, tcol_sh.at[zslc])
    plsc.subcore_barrier()

    start = tile * BASE_GROUPS + jnp.minimum(tile, REM_GROUPS)
    tail = BASE_GROUPS - FULL_CHUNKS * G_PER_CHUNK + jnp.where(
        tile < REM_GROUPS, 1, 0)

    @pl.loop(0, FULL_CHUNKS)
    def _(ch):
        gbase = start + ch * G_PER_CHUNK
        loads = [
            pltpu.async_copy(idx_hbm.at[pl.ds(gbase, G_PER_CHUNK)], ri_v, lsem),
            pltpu.async_copy(idx_hbm.at[pl.ds(NGROUPS + gbase, G_PER_CHUNK)],
                             ci_v, lsem),
            pltpu.async_copy(ea_hbm.at[pl.ds(gbase * GROUP,
                                             G_PER_CHUNK * GROUP)], ea_v, lsem),
        ]
        for cp in loads:
            cp.wait()

        scats = []
        for j in range(G_PER_CHUNK):
            src = ea_v.at[pl.ds(j * GROUP, GROUP)]
            scats.append(
                pltpu.async_copy(src, trow_sh.at[ri_v.at[j]], ssem, add=True))
            scats.append(
                pltpu.async_copy(src, tcol_sh.at[ci_v.at[j]], ssem, add=True))
        for cp in scats:
            cp.wait()

    tbase = start + FULL_CHUNKS * G_PER_CHUNK

    @pl.loop(0, tail)
    def _(j):
        g = tbase + j
        pltpu.sync_copy(idx_hbm.at[pl.ds(g, 1)], ri_v.at[pl.ds(0, 1)])
        pltpu.sync_copy(idx_hbm.at[pl.ds(NGROUPS + g, 1)], ci_v.at[pl.ds(0, 1)])
        pltpu.sync_copy(ea_hbm.at[pl.ds(g * GROUP, GROUP)],
                        ea_v.at[pl.ds(0, GROUP)])
        src = ea_v.at[pl.ds(0, GROUP)]
        pltpu.sync_copy(src, trow_sh.at[ri_v.at[0]], add=True)
        pltpu.sync_copy(src, tcol_sh.at[ci_v.at[0]], add=True)

    plsc.subcore_barrier()

    oslc = pl.ds(s * ROWS_PER_SUBCORE, ROWS_PER_SUBCORE)
    pltpu.sync_copy(trow_sh.at[oslc], out_hbm.at[c, 0, oslc])
    pltpu.sync_copy(tcol_sh.at[oslc], out_hbm.at[c, 1, oslc])


_BN = 2000


def _mlp_a_body(x_ref, u_ref, w0x_ref, w0u_ref, b0_ref, h_ref):
    h = jnp.dot(x_ref[...], w0x_ref[...], preferred_element_type=jnp.float32)
    h += jnp.dot(u_ref[...], w0u_ref[...],
                 preferred_element_type=jnp.float32) + b0_ref[...]
    h_ref[...] = h


def _tc_mlp_a(x, u, w0x, w0u, b0):
    grid = (N_NODES // _BN,)
    return pl.pallas_call(
        _mlp_a_body,
        grid=grid,
        in_specs=[
            pl.BlockSpec((_BN, D_FEAT), lambda i: (i, 0)),
            pl.BlockSpec((1, D_U), lambda i: (0, 0)),
            pl.BlockSpec((D_FEAT, D_FEAT), lambda i: (0, 0)),
            pl.BlockSpec((D_U, D_FEAT), lambda i: (0, 0)),
            pl.BlockSpec((1, D_FEAT), lambda i: (0, 0)),
        ],
        out_specs=pl.BlockSpec((_BN, D_FEAT), lambda i: (i, 0)),
        out_shape=jax.ShapeDtypeStruct((N_NODES, D_FEAT), jnp.float32),
    )(x, u, w0x, w0u, b0)


def _mlp_b_body(parts_ref, h1_ref, w0cr_ref, w1_ref, b1_ref, o_ref):
    aggr = parts_ref[0, 0] + parts_ref[1, 0]
    aggc = parts_ref[0, 1] + parts_ref[1, 1]
    ag = jnp.concatenate([aggc, aggr], axis=1)
    h = h1_ref[...] + jnp.dot(ag, w0cr_ref[...],
                              preferred_element_type=jnp.float32)
    h = jnp.where(h >= 0, h, 0.2 * h)
    o_ref[...] = jnp.dot(h, w1_ref[...],
                         preferred_element_type=jnp.float32) + b1_ref[...]


def _tc_mlp_b(parts, h1, w0cr, w1t, b1):
    grid = (N_NODES // _BN,)
    return pl.pallas_call(
        _mlp_b_body,
        grid=grid,
        in_specs=[
            pl.BlockSpec((NC, 2, _BN, D_EDGE), lambda i: (0, 0, i, 0)),
            pl.BlockSpec((_BN, D_FEAT), lambda i: (i, 0)),
            pl.BlockSpec((2 * D_EDGE, D_FEAT), lambda i: (0, 0)),
            pl.BlockSpec((D_FEAT, D_FEAT), lambda i: (0, 0)),
            pl.BlockSpec((1, D_FEAT), lambda i: (0, 0)),
        ],
        out_specs=pl.BlockSpec((_BN, D_FEAT), lambda i: (i, 0)),
        out_shape=jax.ShapeDtypeStruct((N_NODES, D_FEAT), jnp.float32),
    )(parts, h1, w0cr, w1t, b1)


@jax.jit
def kernel(x, edge_index, edge_attr, u, W0, b0, W1, b1):
    idx_g = edge_index.astype(jnp.int32).reshape(2 * NGROUPS, GROUP)

    parts = _sc_aggregate(idx_g, edge_attr)

    w0cr = W0[:, : 2 * D_EDGE].T
    w0x = W0[:, 2 * D_EDGE: 2 * D_EDGE + D_FEAT].T
    w0u = W0[:, 2 * D_EDGE + D_FEAT:].T
    h1 = _tc_mlp_a(x, u, w0x, w0u, b0.reshape(1, D_FEAT))
    return _tc_mlp_b(parts, h1, w0cr, W1.T, b1.reshape(1, D_FEAT))

# --- scband reference (transcript-rebuilt; emitter-appended) ---
"""Pipeline reference for scband-node-model-31997506355946 (READ-ONLY COPY).

The authoritative reference and input builder live on the scoring server;
editing this copy changes nothing except your own understanding.
"""

import jax, jax.numpy as jnp
import numpy as np

N_NODES = 10000
N_EDGES = 320000
D_FEAT = 128
D_EDGE = 16
D_U = 16
IN_SIZE = 2 * D_EDGE + D_FEAT + D_U  # 176
OUT_SIZE = 128


def setup_inputs(seed: int = 0) -> dict:
    key = jax.random.key(seed)
    k_x, k_ei, k_ea, k_u, k_w0, k_b0, k_w1, k_b1 = jax.random.split(key, 8)
    x = jax.random.normal(k_x, (N_NODES, D_FEAT), dtype=jnp.float32)
    edge_index = jax.random.randint(k_ei, (2, N_EDGES), 0, N_NODES, dtype=jnp.int64)
    edge_attr = jax.random.normal(k_ea, (N_EDGES, D_EDGE), dtype=jnp.float32)
    u = jax.random.normal(k_u, (1, D_U), dtype=jnp.float32)
    # Linear layer params (torch Lin: y = x @ W.T + b), kaiming-ish uniform init
    lim0 = 1.0 / np.sqrt(IN_SIZE)
    W0 = jax.random.uniform(k_w0, (OUT_SIZE, IN_SIZE), dtype=jnp.float32, minval=-lim0, maxval=lim0)
    b0 = jax.random.uniform(k_b0, (OUT_SIZE,), dtype=jnp.float32, minval=-lim0, maxval=lim0)
    lim1 = 1.0 / np.sqrt(OUT_SIZE)
    W1 = jax.random.uniform(k_w1, (OUT_SIZE, OUT_SIZE), dtype=jnp.float32, minval=-lim1, maxval=lim1)
    b1 = jax.random.uniform(k_b1, (OUT_SIZE,), dtype=jnp.float32, minval=-lim1, maxval=lim1)
    return {"x": x, "edge_index": edge_index, "edge_attr": edge_attr, "u": u,
            "W0": W0, "b0": b0, "W1": W1, "b1": b1}


def reference(x, edge_index, edge_attr, u, W0, b0, W1, b1):
    row = edge_index[0]
    col = edge_index[1]
    n = x.shape[0]
    # SumAggregation over edge_attr by src (row) and dst (col); pad to n rows
    # is equivalent to segment_sum with num_segments=n when indices < n.
    src_to_target_aggregated = jax.ops.segment_sum(edge_attr, row, num_segments=n)
    target_to_src_aggregated = jax.ops.segment_sum(edge_attr, col, num_segments=n)
    # batch is None -> u repeated across nodes
    u_rep = jnp.broadcast_to(u, (n, u.shape[1]))
    tmp = jnp.concatenate([target_to_src_aggregated, src_to_target_aggregated, x, u_rep], axis=1)
    # hidden layer + leaky_relu(0.2)
    tmp = tmp @ W0.T + b0
    tmp = jnp.where(tmp >= 0, tmp, 0.2 * tmp)
    # output layer, output_activation == False -> no activation
    out = tmp @ W1.T + b1
    return out

if __name__ == "__main__":
    import jax
    _d = setup_inputs()
    print(jax.jit(kernel)(*tuple(_d.values())))

</pallas_src>

<mosaic_0001>
#map = affine_map<(d0, d1) -> (0, 0)>
#map1 = affine_map<(d0, d1) -> (0, 0, 0, 0)>
module attributes {stable_mosaic.version = 14 : i64} {
  func.func @_sc_aggregate(%arg0: i32, %arg1: i32, %arg2: memref<5000x128xi32, #tpu.memory_space<hbm>>, %arg3: memref<320000x16xf32, #tpu.memory_space<hbm>>, %arg4: memref<2x2x10240x16xf32, #tpu.memory_space<hbm>>, %arg5: memref<13x128xi32, #tpu.memory_space<vmem>>, %arg6: memref<13x128xi32, #tpu.memory_space<vmem>>, %arg7: memref<1664x16xf32, #tpu.memory_space<vmem>>, %arg8: memref<640x16xf32, #tpu.memory_space<vmem>>, %arg9: memref<10240x16xf32, #tpu.memory_space<vmem_shared>>, %arg10: memref<10240x16xf32, #tpu.memory_space<vmem_shared>>, %arg11: memref<!tpu.dma_semaphore, #tpu.memory_space<semaphore_mem>>, %arg12: memref<!tpu.dma_semaphore, #tpu.memory_space<semaphore_mem>>) attributes {dimension_semantics = [#tpu.dimension_semantics<core_parallel>, #tpu.dimension_semantics<subcore_parallel>], iteration_bounds = array<i64: 2, 16>, scalar_prefetch = 0 : i64, scratch_operands = 8 : i64, tpu.core_type = #tpu.core_type<sc_vector_subcore>, window_params = [{transform_indices = #map}, {transform_indices = #map}, {transform_indices = #map1}]} {
    %mul3A = arith.constant 16 : i32
    %mul3A_0 = arith.muli %arg0, %mul3A : i32
    %add3A = arith.addi %mul3A_0, %arg1 : i32
    %scan3A = arith.constant 0 : i32
    %scan3A_1 = arith.constant 640 : i32
    %scan3A_2 = arith.addi %scan3A, %scan3A_1 : i32
    %scan3A_3 = arith.constant 1 : i32
    scf.for %scan3A_42 = %scan3A to %scan3A_2 step %scan3A_3  : i32 {
      %mul3A_43 = arith.constant 1 : i32
      %mul3A_44 = arith.muli %scan3A_42, %mul3A_43 : i32
      %add3A_45 = arith.constant 0 : i32
      %add3A_46 = arith.addi %add3A_45, %mul3A_44 : i32
      %broadcast_in_dim3A = arith.constant 0.000000e+00 : f32
      %broadcast_in_dim3A_47 = vector.broadcast %broadcast_in_dim3A : f32 to vector<16xf32>
      %swap3A = arith.index_cast %add3A_46 : i32 to index
      %swap3A_48 = arith.constant 0 : index
      %swap3A_49 = tpu.vector_load %arg8[%swap3A, %swap3A_48] {strides = array<i32>} : memref<640x16xf32, #tpu.memory_space<vmem>>, vector<1x16xf32>,
      %swap3A_50 = vector.shape_cast %swap3A_49 : vector<1x16xf32> to vector<16xf32>
      %swap3A_51 = vector.shape_cast %broadcast_in_dim3A_47 : vector<16xf32> to vector<1x16xf32>
      tpu.vector_store %arg8[%swap3A, %swap3A_48], %swap3A_51 {strides = array<i32>} : memref<640x16xf32, #tpu.memory_space<vmem>>, vector<1x16xf32>,
    }
    %scan3A_4 = arith.constant 640 : i32
    %mul3A_5 = arith.constant 640 : i32
    %mul3A_6 = arith.muli %arg1, %mul3A_5 : i32
    "tpu.region"() ({
      %run_scoped3A_42 = tpu.sem_alloc : memref<!tpu.dma_semaphore, #tpu.memory_space<semaphore_mem>>
      %dma_start3A = arith.constant 0 : i32
      %dma_start3A_43 = tpu.memref_slice %arg9[%mul3A_6, %dma_start3A] : memref<10240x16xf32, #tpu.memory_space<vmem_shared>> -> memref<640x16xf32, #tpu.memory_space<vmem_shared>>
      %dma_start3A_44 = arith.constant 0 : i32
      %dma_start3A_45 = tpu.memref_slice %arg9[%mul3A_6, %dma_start3A_44] : memref<10240x16xf32, #tpu.memory_space<vmem_shared>> -> memref<640x16xf32, #tpu.memory_space<vmem_shared>>
      tpu.enqueue_dma source(%arg8 : memref<640x16xf32, #tpu.memory_space<vmem>>) target(%dma_start3A_45 : memref<640x16xf32, #tpu.memory_space<vmem_shared>>) target_semaphore(%run_scoped3A_42 : memref<!tpu.dma_semaphore, #tpu.memory_space<semaphore_mem>>)
      %dma_wait3A = arith.constant 0 : i32
      %dma_wait3A_46 = tpu.memref_slice %arg9[%mul3A_6, %dma_wait3A] : memref<10240x16xf32, #tpu.memory_space<vmem_shared>> -> memref<640x16xf32, #tpu.memory_space<vmem_shared>>
      %dma_wait3A_47 = arith.constant 0 : i32
      %dma_wait3A_48 = tpu.memref_slice %arg9[%mul3A_6, %dma_wait3A_47] : memref<10240x16xf32, #tpu.memory_space<vmem_shared>> -> memref<640x16xf32, #tpu.memory_space<vmem_shared>>
      tpu.wait_dma2 semaphore(%run_scoped3A_42 : memref<!tpu.dma_semaphore, #tpu.memory_space<semaphore_mem>>) src(%arg8 : memref<640x16xf32, #tpu.memory_space<vmem>>) dst(%dma_wait3A_48 : memref<640x16xf32, #tpu.memory_space<vmem_shared>>)
      tpu.yield
    }) : () -> ()
    "tpu.region"() ({
      %run_scoped3A_42 = tpu.sem_alloc : memref<!tpu.dma_semaphore, #tpu.memory_space<semaphore_mem>>
      %dma_start3A = arith.constant 0 : i32
      %dma_start3A_43 = tpu.memref_slice %arg10[%mul3A_6, %dma_start3A] : memref<10240x16xf32, #tpu.memory_space<vmem_shared>> -> memref<640x16xf32, #tpu.memory_space<vmem_shared>>
      %dma_start3A_44 = arith.constant 0 : i32
      %dma_start3A_45 = tpu.memref_slice %arg10[%mul3A_6, %dma_start3A_44] : memref<10240x16xf32, #tpu.memory_space<vmem_shared>> -> memref<640x16xf32, #tpu.memory_space<vmem_shared>>
      tpu.enqueue_dma source(%arg8 : memref<640x16xf32, #tpu.memory_space<vmem>>) target(%dma_start3A_45 : memref<640x16xf32, #tpu.memory_space<vmem_shared>>) target_semaphore(%run_scoped3A_42 : memref<!tpu.dma_semaphore, #tpu.memory_space<semaphore_mem>>)
      %dma_wait3A = arith.constant 0 : i32
      %dma_wait3A_46 = tpu.memref_slice %arg10[%mul3A_6, %dma_wait3A] : memref<10240x16xf32, #tpu.memory_space<vmem_shared>> -> memref<640x16xf32, #tpu.memory_space<vmem_shared>>
      %dma_wait3A_47 = arith.constant 0 : i32
      %dma_wait3A_48 = tpu.memref_slice %arg10[%mul3A_6, %dma_wait3A_47] : memref<10240x16xf32, #tpu.memory_space<vmem_shared>> -> memref<640x16xf32, #tpu.memory_space<vmem_shared>>
      tpu.wait_dma2 semaphore(%run_scoped3A_42 : memref<!tpu.dma_semaphore, #tpu.memory_space<semaphore_mem>>) src(%arg8 : memref<640x16xf32, #tpu.memory_space<vmem>>) dst(%dma_wait3A_48 : memref<640x16xf32, #tpu.memory_space<vmem_shared>>)
      tpu.yield
    }) : () -> ()
    %barrier3A = arith.constant 0 : index
    tpu.barrier barrier_id(%barrier3A)
    %mul3A_7 = arith.constant 78 : i32
    %mul3A_8 = arith.muli %add3A, %mul3A_7 : i32
    %min3A = arith.constant 4 : i32
    %min3A_9 = arith.minsi %add3A, %min3A : i32
    %add3A_10 = arith.addi %mul3A_8, %min3A_9 : i32
    %lt3A = arith.constant 4 : i32
    %lt3A_11 = arith.cmpi slt, %add3A, %lt3A : i32
    %jit3A = arith.constant 1 : i32
    %jit3A_12 = arith.constant 0 : i32
    %select_n3A = arith.select %lt3A_11, %jit3A, %jit3A_12 : i32
    %add3A_13 = arith.constant 0 : i32
    %add3A_14 = arith.addi %add3A_13, %select_n3A : i32
    %scan3A_15 = arith.constant 0 : i32
    %scan3A_16 = arith.constant 6 : i32
    %scan3A_17 = arith.addi %scan3A_15, %scan3A_16 : i32
    %scan3A_18 = arith.constant 1 : i32
    scf.for %scan3A_42 = %scan3A_15 to %scan3A_17 step %scan3A_18  : i32 {
      %mul3A_43 = arith.constant 1 : i32
      %mul3A_44 = arith.muli %scan3A_42, %mul3A_43 : i32
      %add3A_45 = arith.constant 0 : i32
      %add3A_46 = arith.addi %add3A_45, %mul3A_44 : i32
      %mul3A_47 = arith.constant 13 : i32
      %mul3A_48 = arith.muli %add3A_46, %mul3A_47 : i32
      %add3A_49 = arith.addi %add3A_10, %mul3A_48 : i32
      %dma_start3A = arith.constant 0 : i32
      %dma_start3A_50 = tpu.memref_slice %arg2[%add3A_49, %dma_start3A] : memref<5000x128xi32, #tpu.memory_space<hbm>> -> memref<13x128xi32, #tpu.memory_space<hbm>>
      %dma_start3A_51 = arith.constant 0 : i32
      %dma_start3A_52 = tpu.memref_slice %arg2[%add3A_49, %dma_start3A_51] : memref<5000x128xi32, #tpu.memory_space<hbm>> -> memref<13x128xi32, #tpu.memory_space<hbm>>
      tpu.enqueue_dma source(%dma_start3A_52 : memref<13x128xi32, #tpu.memory_space<hbm>>) target(%arg5 : memref<13x128xi32, #tpu.memory_space<vmem>>) target_semaphore(%arg11 : memref<!tpu.dma_semaphore, #tpu.memory_space<semaphore_mem>>)
      %add3A_53 = arith.constant 2500 : i32
      %add3A_54 = arith.addi %add3A_53, %add3A_49 : i32
      %dma_start3A_55 = arith.constant 0 : i32
      %dma_start3A_56 = tpu.memref_slice %arg2[%add3A_54, %dma_start3A_55] : memref<5000x128xi32, #tpu.memory_space<hbm>> -> memref<13x128xi32, #tpu.memory_space<hbm>>
      %dma_start3A_57 = arith.constant 0 : i32
      %dma_start3A_58 = tpu.memref_slice %arg2[%add3A_54, %dma_start3A_57] : memref<5000x128xi32, #tpu.memory_space<hbm>> -> memref<13x128xi32, #tpu.memory_space<hbm>>
      tpu.enqueue_dma source(%dma_start3A_58 : memref<13x128xi32, #tpu.memory_space<hbm>>) target(%arg6 : memref<13x128xi32, #tpu.memory_space<vmem>>) target_semaphore(%arg11 : memref<!tpu.dma_semaphore, #tpu.memory_space<semaphore_mem>>)
      %mul3A_59 = arith.constant 128 : i32
      %mul3A_60 = arith.muli %add3A_49, %mul3A_59 : i32
      %dma_start3A_61 = arith.constant 0 : i32
      %dma_start3A_62 = tpu.memref_slice %arg3[%mul3A_60, %dma_start3A_61] : memref<320000x16xf32, #tpu.memory_space<hbm>> -> memref<1664x16xf32, #tpu.memory_space<hbm>>
      %dma_start3A_63 = arith.constant 0 : i32
      %dma_start3A_64 = tpu.memref_slice %arg3[%mul3A_60, %dma_start3A_63] : memref<320000x16xf32, #tpu.memory_space<hbm>> -> memref<1664x16xf32, #tpu.memory_space<hbm>>
      tpu.enqueue_dma source(%dma_start3A_64 : memref<1664x16xf32, #tpu.memory_space<hbm>>) target(%arg7 : memref<1664x16xf32, #tpu.memory_space<vmem>>) target_semaphore(%arg11 : memref<!tpu.dma_semaphore, #tpu.memory_space<semaphore_mem>>)
      %dma_wait3A = arith.constant 0 : i32
      %dma_wait3A_65 = tpu.memref_slice %arg2[%add3A_49, %dma_wait3A] : memref<5000x128xi32, #tpu.memory_space<hbm>> -> memref<13x128xi32, #tpu.memory_space<hbm>>
      %dma_wait3A_66 = arith.constant 0 : i32
      %dma_wait3A_67 = tpu.memref_slice %arg2[%add3A_49, %dma_wait3A_66] : memref<5000x128xi32, #tpu.memory_space<hbm>> -> memref<13x128xi32, #tpu.memory_space<hbm>>
      tpu.wait_dma2 semaphore(%arg11 : memref<!tpu.dma_semaphore, #tpu.memory_space<semaphore_mem>>) src(%dma_wait3A_67 : memref<13x128xi32, #tpu.memory_space<hbm>>) dst(%arg5 : memref<13x128xi32, #tpu.memory_space<vmem>>)
      %dma_wait3A_68 = arith.constant 0 : i32
      %dma_wait3A_69 = tpu.memref_slice %arg2[%add3A_54, %dma_wait3A_68] : memref<5000x128xi32, #tpu.memory_space<hbm>> -> memref<13x128xi32, #tpu.memory_space<hbm>>
      %dma_wait3A_70 = arith.constant 0 : i32
      %dma_wait3A_71 = tpu.memref_slice %arg2[%add3A_54, %dma_wait3A_70] : memref<5000x128xi32, #tpu.memory_space<hbm>> -> memref<13x128xi32, #tpu.memory_space<hbm>>
      tpu.wait_dma2 semaphore(%arg11 : memref<!tpu.dma_semaphore, #tpu.memory_space<semaphore_mem>>) src(%dma_wait3A_71 : memref<13x128xi32, #tpu.memory_space<hbm>>) dst(%arg6 : memref<13x128xi32, #tpu.memory_space<vmem>>)
      %dma_wait3A_72 = arith.constant 0 : i32
      %dma_wait3A_73 = tpu.memref_slice %arg3[%mul3A_60, %dma_wait3A_72] : memref<320000x16xf32, #tpu.memory_space<hbm>> -> memref<1664x16xf32, #tpu.memory_space<hbm>>
      %dma_wait3A_74 = arith.constant 0 : i32
      %dma_wait3A_75 = tpu.memref_slice %arg3[%mul3A_60, %dma_wait3A_74] : memref<320000x16xf32, #tpu.memory_space<hbm>> -> memref<1664x16xf32, #tpu.memory_space<hbm>>
      tpu.wait_dma2 semaphore(%arg11 : memref<!tpu.dma_semaphore, #tpu.memory_space<semaphore_mem>>) src(%dma_wait3A_75 : memref<1664x16xf32, #tpu.memory_space<hbm>>) dst(%arg7 : memref<1664x16xf32, #tpu.memory_space<vmem>>)
      %dma_start3A_76 = arith.constant 0 : i32
      %dma_start3A_77 = arith.constant 0 : i32
      %dma_start3A_78 = arith.constant 0 : i32
      %dma_start3A_79 = tpu.memref_slice %arg7[%dma_start3A_77, %dma_start3A_78] : memref<1664x16xf32, #tpu.memory_space<vmem>> -> memref<128x16xf32, #tpu.memory_space<vmem>>
      %dma_start3A_80 = arith.constant 0 : i32
      %dma_start3A_81 = tpu.memref_slice %arg5[%dma_start3A_76, %dma_start3A_80] : memref<13x128xi32, #tpu.memory_space<vmem>> -> memref<1x128xi32, #tpu.memory_space<vmem>>
      %dma_start3A_82 = tpu.memref_squeeze %dma_start3A_81 : memref<1x128xi32, #tpu.memory_space<vmem>> -> memref<128xi32, #tpu.memory_space<vmem>>
      %dma_start3A_83 = arith.constant 0 : i32
      %dma_start3A_84 = arith.constant 0 : i32
      %dma_start3A_85 = tpu.memref_slice %arg9[%dma_start3A_83, %dma_start3A_84] : memref<10240x16xf32, #tpu.memory_space<vmem_shared>> -> memref<10240x16xf32, #tpu.memory_space<vmem_shared>>
      tpu.enqueue_indirect_dma source(%dma_start3A_79 : memref<128x16xf32, #tpu.memory_space<vmem>>) target(%dma_start3A_85 : memref<10240x16xf32, #tpu.memory_space<vmem_shared>>) offsets(%dma_start3A_82 : memref<128xi32, #tpu.memory_space<vmem>>) semaphore(%arg12 : memref<!tpu.dma_semaphore, #tpu.memory_space<semaphore_mem>>) {add = true}
      %dma_start3A_86 = arith.constant 0 : i32
      %dma_start3A_87 = arith.constant 0 : i32
      %dma_start3A_88 = arith.constant 0 : i32
      %dma_start3A_89 = tpu.memref_slice %arg7[%dma_start3A_87, %dma_start3A_88] : memref<1664x16xf32, #tpu.memory_space<vmem>> -> memref<128x16xf32, #tpu.memory_space<vmem>>
      %dma_start3A_90 = arith.constant 0 : i32
      %dma_start3A_91 = tpu.memref_slice %arg6[%dma_start3A_86, %dma_start3A_90] : memref<13x128xi32, #tpu.memory_space<vmem>> -> memref<1x128xi32, #tpu.memory_space<vmem>>
      %dma_start3A_92 = tpu.memref_squeeze %dma_start3A_91 : memref<1x128xi32, #tpu.memory_space<vmem>> -> memref<128xi32, #tpu.memory_space<vmem>>
      %dma_start3A_93 = arith.constant 0 : i32
      %dma_start3A_94 = arith.constant 0 : i32
      %dma_start3A_95 = tpu.memref_slice %arg10[%dma_start3A_93, %dma_start3A_94] : memref<10240x16xf32, #tpu.memory_space<vmem_shared>> -> memref<10240x16xf32, #tpu.memory_space<vmem_shared>>
      tpu.enqueue_indirect_dma source(%dma_start3A_89 : memref<128x16xf32, #tpu.memory_space<vmem>>) target(%dma_start3A_95 : memref<10240x16xf32, #tpu.memory_space<vmem_shared>>) offsets(%dma_start3A_92 : memref<128xi32, #tpu.memory_space<vmem>>) semaphore(%arg12 : memref<!tpu.dma_semaphore, #tpu.memory_space<semaphore_mem>>) {add = true}
      %dma_start3A_96 = arith.constant 1 : i32
      %dma_start3A_97 = arith.constant 128 : i32
      %dma_start3A_98 = arith.constant 0 : i32
      %dma_start3A_99 = tpu.memref_slice %arg7[%dma_start3A_97, %dma_start3A_98] : memref<1664x16xf32, #tpu.memory_space<vmem>> -> memref<128x16xf32, #tpu.memory_space<vmem>>
      %dma_start3A_100 = arith.constant 0 : i32
      %dma_start3A_101 = tpu.memref_slice %arg5[%dma_start3A_96, %dma_start3A_100] : memref<13x128xi32, #tpu.memory_space<vmem>> -> memref<1x128xi32, #tpu.memory_space<vmem>>
      %dma_start3A_102 = tpu.memref_squeeze %dma_start3A_101 : memref<1x128xi32, #tpu.memory_space<vmem>> -> memref<128xi32, #tpu.memory_space<vmem>>
      %dma_start3A_103 = arith.constant 0 : i32
      %dma_start3A_104 = arith.constant 0 : i32
      %dma_start3A_105 = tpu.memref_slice %arg9[%dma_start3A_103, %dma_start3A_104] : memref<10240x16xf32, #tpu.memory_space<vmem_shared>> -> memref<10240x16xf32, #tpu.memory_space<vmem_shared>>
      tpu.enqueue_indirect_dma source(%dma_start3A_99 : memref<128x16xf32, #tpu.memory_space<vmem>>) target(%dma_start3A_105 : memref<10240x16xf32, #tpu.memory_space<vmem_shared>>) offsets(%dma_start3A_102 : memref<128xi32, #tpu.memory_space<vmem>>) semaphore(%arg12 : memref<!tpu.dma_semaphore, #tpu.memory_space<semaphore_mem>>) {add = true}
      %dma_start3A_106 = arith.constant 1 : i32
      %dma_start3A_107 = arith.constant 128 : i32
      %dma_start3A_108 = arith.constant 0 : i32
      %dma_start3A_109 = tpu.memref_slice %arg7[%dma_start3A_107, %dma_start3A_108] : memref<1664x16xf32, #tpu.memory_space<vmem>> -> memref<128x16xf32, #tpu.memory_space<vmem>>
      %dma_start3A_110 = arith.constant 0 : i32
      %dma_start3A_111 = tpu.memref_slice %arg6[%dma_start3A_106, %dma_start3A_110] : memref<13x128xi32, #tpu.memory_space<vmem>> -> memref<1x128xi32, #tpu.memory_space<vmem>>
      %dma_start3A_112 = tpu.memref_squeeze %dma_start3A_111 : memref<1x128xi32, #tpu.memory_space<vmem>> -> memref<128xi32, #tpu.memory_space<vmem>>
      %dma_start3A_113 = arith.constant 0 : i32
      %dma_start3A_114 = arith.constant 0 : i32
      %dma_start3A_115 = tpu.memref_slice %arg10[%dma_start3A_113, %dma_start3A_114] : memref<10240x16xf32, #tpu.memory_space<vmem_shared>> -> memref<10240x16xf32, #tpu.memory_space<vmem_shared>>
      tpu.enqueue_indirect_dma source(%dma_start3A_109 : memref<128x16xf32, #tpu.memory_space<vmem>>) target(%dma_start3A_115 : memref<10240x16xf32, #tpu.memory_space<vmem_shared>>) offsets(%dma_start3A_112 : memref<128xi32, #tpu.memory_space<vmem>>) semaphore(%arg12 : memref<!tpu.dma_semaphore, #tpu.memory_space<semaphore_mem>>) {add = true}
      %dma_start3A_116 = arith.constant 2 : i32
      %dma_start3A_117 = arith.constant 256 : i32
      %dma_start3A_118 = arith.constant 0 : i32
      %dma_start3A_119 = tpu.memref_slice %arg7[%dma_start3A_117, %dma_start3A_118] : memref<1664x16xf32, #tpu.memory_space<vmem>> -> memref<128x16xf32, #tpu.memory_space<vmem>>
      %dma_start3A_120 = arith.constant 0 : i32
      %dma_start3A_121 = tpu.memref_slice %arg5[%dma_start3A_116, %dma_start3A_120] : memref<13x128xi32, #tpu.memory_space<vmem>> -> memref<1x128xi32, #tpu.memory_space<vmem>>
      %dma_start3A_122 = tpu.memref_squeeze %dma_start3A_121 : memref<1x128xi32, #tpu.memory_space<vmem>> -> memref<128xi32, #tpu.memory_space<vmem>>
      %dma_start3A_123 = arith.constant 0 : i32
      %dma_start3A_124 = arith.constant 0 : i32
      %dma_start3A_125 = tpu.memref_slice %arg9[%dma_start3A_123, %dma_start3A_124] : memref<10240x16xf32, #tpu.memory_space<vmem_shared>> -> memref<10240x16xf32, #tpu.memory_space<vmem_shared>>
      tpu.enqueue_indirect_dma source(%dma_start3A_119 : memref<128x16xf32, #tpu.memory_space<vmem>>) target(%dma_start3A_125 : memref<10240x16xf32, #tpu.memory_space<vmem_shared>>) offsets(%dma_start3A_122 : memref<128xi32, #tpu.memory_space<vmem>>) semaphore(%arg12 : memref<!tpu.dma_semaphore, #tpu.memory_space<semaphore_mem>>) {add = true}
      %dma_start3A_126 = arith.constant 2 : i32
      %dma_start3A_127 = arith.constant 256 : i32
      %dma_start3A_128 = arith.constant 0 : i32
      %dma_start3A_129 = tpu.memref_slice %arg7[%dma_start3A_127, %dma_start3A_128] : memref<1664x16xf32, #tpu.memory_space<vmem>> -> memref<128x16xf32, #tpu.memory_space<vmem>>
      %dma_start3A_130 = arith.constant 0 : i32
      %dma_start3A_131 = tpu.memref_slice %arg6[%dma_start3A_126, %dma_start3A_130] : memref<13x128xi32, #tpu.memory_space<vmem>> -> memref<1x128xi32, #tpu.memory_space<vmem>>
      %dma_start3A_132 = tpu.memref_squeeze %dma_start3A_131 : memref<1x128xi32, #tpu.memory_space<vmem>> -> memref<128xi32, #tpu.memory_space<vmem>>
      %dma_start3A_133 = arith.constant 0 : i32
      %dma_start3A_134 = arith.constant 0 : i32
      %dma_start3A_135 = tpu.memref_slice %arg10[%dma_start3A_133, %dma_start3A_134] : memref<10240x16xf32, #tpu.memory_space<vmem_shared>> -> memref<10240x16xf32, #tpu.memory_space<vmem_shared>>
      tpu.enqueue_indirect_dma source(%dma_start3A_129 : memref<128x16xf32, #tpu.memory_space<vmem>>) target(%dma_start3A_135 : memref<10240x16xf32, #tpu.memory_space<vmem_shared>>) offsets(%dma_start3A_132 : memref<128xi32, #tpu.memory_space<vmem>>) semaphore(%arg12 : memref<!tpu.dma_semaphore, #tpu.memory_space<semaphore_mem>>) {add = true}
      %dma_start3A_136 = arith.constant 3 : i32
      %dma_start3A_137 = arith.constant 384 : i32
      %dma_start3A_138 = arith.constant 0 : i32
      %dma_start3A_139 = tpu.memref_slice %arg7[%dma_start3A_137, %dma_start3A_138] : memref<1664x16xf32, #tpu.memory_space<vmem>> -> memref<128x16xf32, #tpu.memory_space<vmem>>
      %dma_start3A_140 = arith.constant 0 : i32
      %dma_start3A_141 = tpu.memref_slice %arg5[%dma_start3A_136, %dma_start3A_140] : memref<13x128xi32, #tpu.memory_space<vmem>> -> memref<1x128xi32, #tpu.memory_space<vmem>>
      %dma_start3A_142 = tpu.memref_squeeze %dma_start3A_141 : memref<1x128xi32, #tpu.memory_space<vmem>> -> memref<128xi32, #tpu.memory_space<vmem>>
      %dma_start3A_143 = arith.constant 0 : i32
      %dma_start3A_144 = arith.constant 0 : i32
      %dma_start3A_145 = tpu.memref_slice %arg9[%dma_start3A_143, %dma_start3A_144] : memref<10240x16xf32, #tpu.memory_space<vmem_shared>> -> memref<10240x16xf32, #tpu.memory_space<vmem_shared>>
      tpu.enqueue_indirect_dma source(%dma_start3A_139 : memref<128x16xf32, #tpu.memory_space<vmem>>) target(%dma_start3A_145 : memref<10240x16xf32, #tpu.memory_space<vmem_shared>>) offsets(%dma_start3A_142 : memref<128xi32, #tpu.memory_space<vmem>>) semaphore(%arg12 : memref<!tpu.dma_semaphore, #tpu.memory_space<semaphore_mem>>) {add = true}
      %dma_start3A_146 = arith.constant 3 : i32
      %dma_start3A_147 = arith.constant 384 : i32
      %dma_start3A_148 = arith.constant 0 : i32
      %dma_start3A_149 = tpu.memref_slice %arg7[%dma_start3A_147, %dma_start3A_148] : memref<1664x16xf32, #tpu.memory_space<vmem>> -> memref<128x16xf32, #tpu.memory_space<vmem>>
      %dma_start3A_150 = arith.constant 0 : i32
      %dma_start3A_151 = tpu.memref_slice %arg6[%dma_start3A_146, %dma_start3A_150] : memref<13x128xi32, #tpu.memory_space<vmem>> -> memref<1x128xi32, #tpu.memory_space<vmem>>
      %dma_start3A_152 = tpu.memref_squeeze %dma_start3A_151 : memref<1x128xi32, #tpu.memory_space<vmem>> -> memref<128xi32, #tpu.memory_space<vmem>>
      %dma_start3A_153 = arith.constant 0 : i32
      %dma_start3A_154 = arith.constant 0 : i32
      %dma_start3A_155 = tpu.memref_slice %arg10[%dma_start3A_153, %dma_start3A_154] : memref<10240x16xf32, #tpu.memory_space<vmem_shared>> -> memref<10240x16xf32, #tpu.memory_space<vmem_shared>>
      tpu.enqueue_indirect_dma source(%dma_start3A_149 : memref<128x16xf32, #tpu.memory_space<vmem>>) target(%dma_start3A_155 : memref<10240x16xf32, #tpu.memory_space<vmem_shared>>) offsets(%dma_start3A_152 : memref<128xi32, #tpu.memory_space<vmem>>) semaphore(%arg12 : memref<!tpu.dma_semaphore, #tpu.memory_space<semaphore_mem>>) {add = true}
      %dma_start3A_156 = arith.constant 4 : i32
      %dma_start3A_157 = arith.constant 512 : i32
      %dma_start3A_158 = arith.constant 0 : i32
      %dma_start3A_159 = tpu.memref_slice %arg7[%dma_start3A_157, %dma_start3A_158] : memref<1664x16xf32, #tpu.memory_space<vmem>> -> memref<128x16xf32, #tpu.memory_space<vmem>>
      %dma_start3A_160 = arith.constant 0 : i32
      %dma_start3A_161 = tpu.memref_slice %arg5[%dma_start3A_156, %dma_start3A_160] : memref<13x128xi32, #tpu.memory_space<vmem>> -> memref<1x128xi32, #tpu.memory_space<vmem>>
      %dma_start3A_162 = tpu.memref_squeeze %dma_start3A_161 : memref<1x128xi32, #tpu.memory_space<vmem>> -> memref<128xi32, #tpu.memory_space<vmem>>
      %dma_start3A_163 = arith.constant 0 : i32
      %dma_start3A_164 = arith.constant 0 : i32
      %dma_start3A_165 = tpu.memref_slice %arg9[%dma_start3A_163, %dma_start3A_164] : memref<10240x16xf32, #tpu.memory_space<vmem_shared>> -> memref<10240x16xf32, #tpu.memory_space<vmem_shared>>
      tpu.enqueue_indirect_dma source(%dma_start3A_159 : memref<128x16xf32, #tpu.memory_space<vmem>>) target(%dma_start3A_165 : memref<10240x16xf32, #tpu.memory_space<vmem_shared>>) offsets(%dma_start3A_162 : memref<128xi32, #tpu.memory_space<vmem>>) semaphore(%arg12 : memref<!tpu.dma_semaphore, #tpu.memory_space<semaphore_mem>>) {add = true}
      %dma_start3A_166 = arith.constant 4 : i32
      %dma_start3A_167 = arith.constant 512 : i32
      %dma_start3A_168 = arith.constant 0 : i32
      %dma_start3A_169 = tpu.memref_slice %arg7[%dma_start3A_167, %dma_start3A_168] : memref<1664x16xf32, #tpu.memory_space<vmem>> -> memref<128x16xf32, #tpu.memory_space<vmem>>
      %dma_start3A_170 = arith.constant 0 : i32
      %dma_start3A_171 = tpu.memref_slice %arg6[%dma_start3A_166, %dma_start3A_170] : memref<13x128xi32, #tpu.memory_space<vmem>> -> memref<1x128xi32, #tpu.memory_space<vmem>>
      %dma_start3A_172 = tpu.memref_squeeze %dma_start3A_171 : memref<1x128xi32, #tpu.memory_space<vmem>> -> memref<128xi32, #tpu.memory_space<vmem>>
      %dma_start3A_173 = arith.constant 0 : i32
      %dma_start3A_174 = arith.constant 0 : i32
      %dma_start3A_175 = tpu.memref_slice %arg10[%dma_start3A_173, %dma_start3A_174] : memref<10240x16xf32, #tpu.memory_space<vmem_shared>> -> memref<10240x16xf32, #tpu.memory_space<vmem_shared>>
      tpu.enqueue_indirect_dma source(%dma_start3A_169 : memref<128x16xf32, #tpu.memory_space<vmem>>) target(%dma_start3A_175 : memref<10240x16xf32, #tpu.memory_space<vmem_shared>>) offsets(%dma_start3A_172 : memref<128xi32, #tpu.memory_space<vmem>>) semaphore(%arg12 : memref<!tpu.dma_semaphore, #tpu.memory_space<semaphore_mem>>) {add = true}
      %dma_start3A_176 = arith.constant 5 : i32
      %dma_start3A_177 = arith.constant 640 : i32
      %dma_start3A_178 = arith.constant 0 : i32
      %dma_start3A_179 = tpu.memref_slice %arg7[%dma_start3A_177, %dma_start3A_178] : memref<1664x16xf32, #tpu.memory_space<vmem>> -> memref<128x16xf32, #tpu.memory_space<vmem>>
      %dma_start3A_180 = arith.constant 0 : i32
      %dma_start3A_181 = tpu.memref_slice %arg5[%dma_start3A_176, %dma_start3A_180] : memref<13x128xi32, #tpu.memory_space<vmem>> -> memref<1x128xi32, #tpu.memory_space<vmem>>
      %dma_start3A_182 = tpu.memref_squeeze %dma_start3A_181 : memref<1x128xi32, #tpu.memory_space<vmem>> -> memref<128xi32, #tpu.memory_space<vmem>>
      %dma_start3A_183 = arith.constant 0 : i32
      %dma_start3A_184 = arith.constant 0 : i32
      %dma_start3A_185 = tpu.memref_slice %arg9[%dma_start3A_183, %dma_start3A_184] : memref<10240x16xf32, #tpu.memory_space<vmem_shared>> -> memref<10240x16xf32, #tpu.memory_space<vmem_shared>>
      tpu.enqueue_indirect_dma source(%dma_start3A_179 : memref<128x16xf32, #tpu.memory_space<vmem>>) target(%dma_start3A_185 : memref<10240x16xf32, #tpu.memory_space<vmem_shared>>) offsets(%dma_start3A_182 : memref<128xi32, #tpu.memory_space<vmem>>) semaphore(%arg12 : memref<!tpu.dma_semaphore, #tpu.memory_space<semaphore_mem>>) {add = true}
      %dma_start3A_186 = arith.constant 5 : i32
      %dma_start3A_187 = arith.constant 640 : i32
      %dma_start3A_188 = arith.constant 0 : i32
      %dma_start3A_189 = tpu.memref_slice %arg7[%dma_start3A_187, %dma_start3A_188] : memref<1664x16xf32, #tpu.memory_space<vmem>> -> memref<128x16xf32, #tpu.memory_space<vmem>>
      %dma_start3A_190 = arith.constant 0 : i32
      %dma_start3A_191 = tpu.memref_slice %arg6[%dma_start3A_186, %dma_start3A_190] : memref<13x128xi32, #tpu.memory_space<vmem>> -> memref<1x128xi32, #tpu.memory_space<vmem>>
      %dma_start3A_192 = tpu.memref_squeeze %dma_start3A_191 : memref<1x128xi32, #tpu.memory_space<vmem>> -> memref<128xi32, #tpu.memory_space<vmem>>
      %dma_start3A_193 = arith.constant 0 : i32
      %dma_start3A_194 = arith.constant 0 : i32
      %dma_start3A_195 = tpu.memref_slice %arg10[%dma_start3A_193, %dma_start3A_194] : memref<10240x16xf32, #tpu.memory_space<vmem_shared>> -> memref<10240x16xf32, #tpu.memory_space<vmem_shared>>
      tpu.enqueue_indirect_dma source(%dma_start3A_189 : memref<128x16xf32, #tpu.memory_space<vmem>>) target(%dma_start3A_195 : memref<10240x16xf32, #tpu.memory_space<vmem_shared>>) offsets(%dma_start3A_192 : memref<128xi32, #tpu.memory_space<vmem>>) semaphore(%arg12 : memref<!tpu.dma_semaphore, #tpu.memory_space<semaphore_mem>>) {add = true}
      %dma_start3A_196 = arith.constant 6 : i32
      %dma_start3A_197 = arith.constant 768 : i32
      %dma_start3A_198 = arith.constant 0 : i32
      %dma_start3A_199 = tpu.memref_slice %arg7[%dma_start3A_197, %dma_start3A_198] : memref<1664x16xf32, #tpu.memory_space<vmem>> -> memref<128x16xf32, #tpu.memory_space<vmem>>
      %dma_start3A_200 = arith.constant 0 : i32
      %dma_start3A_201 = tpu.memref_slice %arg5[%dma_start3A_196, %dma_start3A_200] : memref<13x128xi32, #tpu.memory_space<vmem>> -> memref<1x128xi32, #tpu.memory_space<vmem>>
      %dma_start3A_202 = tpu.memref_squeeze %dma_start3A_201 : memref<1x128xi32, #tpu.memory_space<vmem>> -> memref<128xi32, #tpu.memory_space<vmem>>
      %dma_start3A_203 = arith.constant 0 : i32
      %dma_start3A_204 = arith.constant 0 : i32
      %dma_start3A_205 = tpu.memref_slice %arg9[%dma_start3A_203, %dma_start3A_204] : memref<10240x16xf32, #tpu.memory_space<vmem_shared>> -> memref<10240x16xf32, #tpu.memory_space<vmem_shared>>
      tpu.enqueue_indirect_dma source(%dma_start3A_199 : memref<128x16xf32, #tpu.memory_space<vmem>>) target(%dma_start3A_205 : memref<10240x16xf32, #tpu.memory_space<vmem_shared>>) offsets(%dma_start3A_202 : memref<128xi32, #tpu.memory_space<vmem>>) semaphore(%arg12 : memref<!tpu.dma_semaphore, #tpu.memory_space<semaphore_mem>>) {add = true}
      %dma_start3A_206 = arith.constant 6 : i32
      %dma_start3A_207 = arith.constant 768 : i32
      %dma_start3A_208 = arith.constant 0 : i32
      %dma_start3A_209 = tpu.memref_slice %arg7[%dma_start3A_207, %dma_start3A_208] : memref<1664x16xf32, #tpu.memory_space<vmem>> -> memref<128x16xf32, #tpu.memory_space<vmem>>
      %dma_start3A_210 = arith.constant 0 : i32
      %dma_start3A_211 = tpu.memref_slice %arg6[%dma_start3A_206, %dma_start3A_210] : memref<13x128xi32, #tpu.memory_space<vmem>> -> memref<1x128xi32, #tpu.memory_space<vmem>>
      %dma_start3A_212 = tpu.memref_squeeze %dma_start3A_211 : memref<1x128xi32, #tpu.memory_space<vmem>> -> memref<128xi32, #tpu.memory_space<vmem>>
      %dma_start3A_213 = arith.constant 0 : i32
      %dma_start3A_214 = arith.constant 0 : i32
      %dma_start3A_215 = tpu.memref_slice %arg10[%dma_start3A_213, %dma_start3A_214] : memref<10240x16xf32, #tpu.memory_space<vmem_shared>> -> memref<10240x16xf32, #tpu.memory_space<vmem_shared>>
      tpu.enqueue_indirect_dma source(%dma_start3A_209 : memref<128x16xf32, #tpu.memory_space<vmem>>) target(%dma_start3A_215 : memref<10240x16xf32, #tpu.memory_space<vmem_shared>>) offsets(%dma_start3A_212 : memref<128xi32, #tpu.memory_space<vmem>>) semaphore(%arg12 : memref<!tpu.dma_semaphore, #tpu.memory_space<semaphore_mem>>) {add = true}
      %dma_start3A_216 = arith.constant 7 : i32
      %dma_start3A_217 = arith.constant 896 : i32
      %dma_start3A_218 = arith.constant 0 : i32
      %dma_start3A_219 = tpu.memref_slice %arg7[%dma_start3A_217, %dma_start3A_218] : memref<1664x16xf32, #tpu.memory_space<vmem>> -> memref<128x16xf32, #tpu.memory_space<vmem>>
      %dma_start3A_220 = arith.constant 0 : i32
      %dma_start3A_221 = tpu.memref_slice %arg5[%dma_start3A_216, %dma_start3A_220] : memref<13x128xi32, #tpu.memory_space<vmem>> -> memref<1x128xi32, #tpu.memory_space<vmem>>
      %dma_start3A_222 = tpu.memref_squeeze %dma_start3A_221 : memref<1x128xi32, #tpu.memory_space<vmem>> -> memref<128xi32, #tpu.memory_space<vmem>>
      %dma_start3A_223 = arith.constant 0 : i32
      %dma_start3A_224 = arith.constant 0 : i32
      %dma_start3A_225 = tpu.memref_slice %arg9[%dma_start3A_223, %dma_start3A_224] : memref<10240x16xf32, #tpu.memory_space<vmem_shared>> -> memref<10240x16xf32, #tpu.memory_space<vmem_shared>>
      tpu.enqueue_indirect_dma source(%dma_start3A_219 : memref<128x16xf32, #tpu.memory_space<vmem>>) target(%dma_start3A_225 : memref<10240x16xf32, #tpu.memory_space<vmem_shared>>) offsets(%dma_start3A_222 : memref<128xi32, #tpu.memory_space<vmem>>) semaphore(%arg12 : memref<!tpu.dma_semaphore, #tpu.memory_space<semaphore_mem>>) {add = true}
      %dma_start3A_226 = arith.constant 7 : i32
      %dma_start3A_227 = arith.constant 896 : i32
      %dma_start3A_228 = arith.constant 0 : i32
      %dma_start3A_229 = tpu.memref_slice %arg7[%dma_start3A_227, %dma_start3A_228] : memref<1664x16xf32, #tpu.memory_space<vmem>> -> memref<128x16xf32, #tpu.memory_space<vmem>>
      %dma_start3A_230 = arith.constant 0 : i32
      %dma_start3A_231 = tpu.memref_slice %arg6[%dma_start3A_226, %dma_start3A_230] : memref<13x128xi32, #tpu.memory_space<vmem>> -> memref<1x128xi32, #tpu.memory_space<vmem>>
      %dma_start3A_232 = tpu.memref_squeeze %dma_start3A_231 : memref<1x128xi32, #tpu.memory_space<vmem>> -> memref<128xi32, #tpu.memory_space<vmem>>
      %dma_start3A_233 = arith.constant 0 : i32
      %dma_start3A_234 = arith.constant 0 : i32
      %dma_start3A_235 = tpu.memref_slice %arg10[%dma_start3A_233, %dma_start3A_234] : memref<10240x16xf32, #tpu.memory_space<vmem_shared>> -> memref<10240x16xf32, #tpu.memory_space<vmem_shared>>
      tpu.enqueue_indirect_dma source(%dma_start3A_229 : memref<128x16xf32, #tpu.memory_space<vmem>>) target(%dma_start3A_235 : memref<10240x16xf32, #tpu.memory_space<vmem_shared>>) offsets(%dma_start3A_232 : memref<128xi32, #tpu.memory_space<vmem>>) semaphore(%arg12 : memref<!tpu.dma_semaphore, #tpu.memory_space<semaphore_mem>>) {add = true}
      %dma_start3A_236 = arith.constant 8 : i32
      %dma_start3A_237 = arith.constant 1024 : i32
      %dma_start3A_238 = arith.constant 0 : i32
      %dma_start3A_239 = tpu.memref_slice %arg7[%dma_start3A_237, %dma_start3A_238] : memref<1664x16xf32, #tpu.memory_space<vmem>> -> memref<128x16xf32, #tpu.memory_space<vmem>>
      %dma_start3A_240 = arith.constant 0 : i32
      %dma_start3A_241 = tpu.memref_slice %arg5[%dma_start3A_236, %dma_start3A_240] : memref<13x128xi32, #tpu.memory_space<vmem>> -> memref<1x128xi32, #tpu.memory_space<vmem>>
      %dma_start3A_242 = tpu.memref_squeeze %dma_start3A_241 : memref<1x128xi32, #tpu.memory_space<vmem>> -> memref<128xi32, #tpu.memory_space<vmem>>
      %dma_start3A_243 = arith.constant 0 : i32
      %dma_start3A_244 = arith.constant 0 : i32
      %dma_start3A_245 = tpu.memref_slice %arg9[%dma_start3A_243, %dma_start3A_244] : memref<10240x16xf32, #tpu.memory_space<vmem_shared>> -> memref<10240x16xf32, #tpu.memory_space<vmem_shared>>
      tpu.enqueue_indirect_dma source(%dma_start3A_239 : memref<128x16xf32, #tpu.memory_space<vmem>>) target(%dma_start3A_245 : memref<10240x16xf32, #tpu.memory_space<vmem_shared>>) offsets(%dma_start3A_242 : memref<128xi32, #tpu.memory_space<vmem>>) semaphore(%arg12 : memref<!tpu.dma_semaphore, #tpu.memory_space<semaphore_mem>>) {add = true}
      %dma_start3A_246 = arith.constant 8 : i32
      %dma_start3A_247 = arith.constant 1024 : i32
      %dma_start3A_248 = arith.constant 0 : i32
      %dma_start3A_249 = tpu.memref_slice %arg7[%dma_start3A_247, %dma_start3A_248] : memref<1664x16xf32, #tpu.memory_space<vmem>> -> memref<128x16xf32, #tpu.memory_space<vmem>>
      %dma_start3A_250 = arith.constant 0 : i32
      %dma_start3A_251 = tpu.memref_slice %arg6[%dma_start3A_246, %dma_start3A_250] : memref<13x128xi32, #tpu.memory_space<vmem>> -> memref<1x128xi32, #tpu.memory_space<vmem>>
      %dma_start3A_252 = tpu.memref_squeeze %dma_start3A_251 : memref<1x128xi32, #tpu.memory_space<vmem>> -> memref<128xi32, #tpu.memory_space<vmem>>
      %dma_start3A_253 = arith.constant 0 : i32
      %dma_start3A_254 = arith.constant 0 : i32
      %dma_start3A_255 = tpu.memref_slice %arg10[%dma_start3A_253, %dma_start3A_254] : memref<10240x16xf32, #tpu.memory_space<vmem_shared>> -> memref<10240x16xf32, #tpu.memory_space<vmem_shared>>
      tpu.enqueue_indirect_dma source(%dma_start3A_249 : memref<128x16xf32, #tpu.memory_space<vmem>>) target(%dma_start3A_255 : memref<10240x16xf32, #tpu.memory_space<vmem_shared>>) offsets(%dma_start3A_252 : memref<128xi32, #tpu.memory_space<vmem>>) semaphore(%arg12 : memref<!tpu.dma_semaphore, #tpu.memory_space<semaphore_mem>>) {add = true}
      %dma_start3A_256 = arith.constant 9 : i32
      %dma_start3A_257 = arith.constant 1152 : i32
      %dma_start3A_258 = arith.constant 0 : i32
      %dma_start3A_259 = tpu.memref_slice %arg7[%dma_start3A_257, %dma_start3A_258] : memref<1664x16xf32, #tpu.memory_space<vmem>> -> memref<128x16xf32, #tpu.memory_space<vmem>>
      %dma_start3A_260 = arith.constant 0 : i32
      %dma_start3A_261 = tpu.memref_slice %arg5[%dma_start3A_256, %dma_start3A_260] : memref<13x128xi32, #tpu.memory_space<vmem>> -> memref<1x128xi32, #tpu.memory_space<vmem>>
      %dma_start3A_262 = tpu.memref_squeeze %dma_start3A_261 : memref<1x128xi32, #tpu.memory_space<vmem>> -> memref<128xi32, #tpu.memory_space<vmem>>
      %dma_start3A_263 = arith.constant 0 : i32
      %dma_start3A_264 = arith.constant 0 : i32
      %dma_start3A_265 = tpu.memref_slice %arg9[%dma_start3A_263, %dma_start3A_264] : memref<10240x16xf32, #tpu.memory_space<vmem_shared>> -> memref<10240x16xf32, #tpu.memory_space<vmem_shared>>
      tpu.enqueue_indirect_dma source(%dma_start3A_259 : memref<128x16xf32, #tpu.memory_space<vmem>>) target(%dma_start3A_265 : memref<10240x16xf32, #tpu.memory_space<vmem_shared>>) offsets(%dma_start3A_262 : memref<128xi32, #tpu.memory_space<vmem>>) semaphore(%arg12 : memref<!tpu.dma_semaphore, #tpu.memory_space<semaphore_mem>>) {add = true}
      %dma_start3A_266 = arith.constant 9 : i32
      %dma_start3A_267 = arith.constant 1152 : i32
      %dma_start3A_268 = arith.constant 0 : i32
      %dma_start3A_269 = tpu.memref_slice %arg7[%dma_start3A_267, %dma_start3A_268] : memref<1664x16xf32, #tpu.memory_space<vmem>> -> memref<128x16xf32, #tpu.memory_space<vmem>>
      %dma_start3A_270 = arith.constant 0 : i32
      %dma_start3A_271 = tpu.memref_slice %arg6[%dma_start3A_266, %dma_start3A_270] : memref<13x128xi32, #tpu.memory_space<vmem>> -> memref<1x128xi32, #tpu.memory_space<vmem>>
      %dma_start3A_272 = tpu.memref_squeeze %dma_start3A_271 : memref<1x128xi32, #tpu.memory_space<vmem>> -> memref<128xi32, #tpu.memory_space<vmem>>
      %dma_start3A_273 = arith.constant 0 : i32
      %dma_start3A_274 = arith.constant 0 : i32
      %dma_start3A_275 = tpu.memref_slice %arg10[%dma_start3A_273, %dma_start3A_274] : memref<10240x16xf32, #tpu.memory_space<vmem_shared>> -> memref<10240x16xf32, #tpu.memory_space<vmem_shared>>
      tpu.enqueue_indirect_dma source(%dma_start3A_269 : memref<128x16xf32, #tpu.memory_space<vmem>>) target(%dma_start3A_275 : memref<10240x16xf32, #tpu.memory_space<vmem_shared>>) offsets(%dma_start3A_272 : memref<128xi32, #tpu.memory_space<vmem>>) semaphore(%arg12 : memref<!tpu.dma_semaphore, #tpu.memory_space<semaphore_mem>>) {add = true}
      %dma_start3A_276 = arith.constant 10 : i32
      %dma_start3A_277 = arith.constant 1280 : i32
      %dma_start3A_278 = arith.constant 0 : i32
      %dma_start3A_279 = tpu.memref_slice %arg7[%dma_start3A_277, %dma_start3A_278] : memref<1664x16xf32, #tpu.memory_space<vmem>> -> memref<128x16xf32, #tpu.memory_space<vmem>>
      %dma_start3A_280 = arith.constant 0 : i32
      %dma_start3A_281 = tpu.memref_slice %arg5[%dma_start3A_276, %dma_start3A_280] : memref<13x128xi32, #tpu.memory_space<vmem>> -> memref<1x128xi32, #tpu.memory_space<vmem>>
      %dma_start3A_282 = tpu.memref_squeeze %dma_start3A_281 : memref<1x128xi32, #tpu.memory_space<vmem>> -> memref<128xi32, #tpu.memory_space<vmem>>
      %dma_start3A_283 = arith.constant 0 : i32
      %dma_start3A_284 = arith.constant 0 : i32
      %dma_start3A_285 = tpu.memref_slice %arg9[%dma_start3A_283, %dma_start3A_284] : memref<10240x16xf32, #tpu.memory_space<vmem_shared>> -> memref<10240x16xf32, #tpu.memory_space<vmem_shared>>
      tpu.enqueue_indirect_dma source(%dma_start3A_279 : memref<128x16xf32, #tpu.memory_space<vmem>>) target(%dma_start3A_285 : memref<10240x16xf32, #tpu.memory_space<vmem_shared>>) offsets(%dma_start3A_282 : memref<128xi32, #tpu.memory_space<vmem>>) semaphore(%arg12 : memref<!tpu.dma_semaphore, #tpu.memory_space<semaphore_mem>>) {add = true}
      %dma_start3A_286 = arith.constant 10 : i32
      %dma_start3A_287 = arith.constant 1280 : i32
      %dma_start3A_288 = arith.constant 0 : i32
      %dma_start3A_289 = tpu.memref_slice %arg7[%dma_start3A_287, %dma_start3A_288] : memref<1664x16xf32, #tpu.memory_space<vmem>> -> memref<128x16xf32, #tpu.memory_space<vmem>>
      %dma_start3A_290 = arith.constant 0 : i32
      %dma_start3A_291 = tpu.memref_slice %arg6[%dma_start3A_286, %dma_start3A_290] : memref<13x128xi32, #tpu.memory_space<vmem>> -> memref<1x128xi32, #tpu.memory_space<vmem>>
      %dma_start3A_292 = tpu.memref_squeeze %dma_start3A_291 : memref<1x128xi32, #tpu.memory_space<vmem>> -> memref<128xi32, #tpu.memory_space<vmem>>
      %dma_start3A_293 = arith.constant 0 : i32
      %dma_start3A_294 = arith.constant 0 : i32
      %dma_start3A_295 = tpu.memref_slice %arg10[%dma_start3A_293, %dma_start3A_294] : memref<10240x16xf32, #tpu.memory_space<vmem_shared>> -> memref<10240x16xf32, #tpu.memory_space<vmem_shared>>
      tpu.enqueue_indirect_dma source(%dma_start3A_289 : memref<128x16xf32, #tpu.memory_space<vmem>>) target(%dma_start3A_295 : memref<10240x16xf32, #tpu.memory_space<vmem_shared>>) offsets(%dma_start3A_292 : memref<128xi32, #tpu.memory_space<vmem>>) semaphore(%arg12 : memref<!tpu.dma_semaphore, #tpu.memory_space<semaphore_mem>>) {add = true}
      %dma_start3A_296 = arith.constant 11 : i32
      %dma_start3A_297 = arith.constant 1408 : i32
      %dma_start3A_298 = arith.constant 0 : i32
      %dma_start3A_299 = tpu.memref_slice %arg7[%dma_start3A_297, %dma_start3A_298] : memref<1664x16xf32, #tpu.memory_space<vmem>> -> memref<128x16xf32, #tpu.memory_space<vmem>>
      %dma_start3A_300 = arith.constant 0 : i32
      %dma_start3A_301 = tpu.memref_slice %arg5[%dma_start3A_296, %dma_start3A_300] : memref<13x128xi32, #tpu.memory_space<vmem>> -> memref<1x128xi32, #tpu.memory_space<vmem>>
      %dma_start3A_302 = tpu.memref_squeeze %dma_start3A_301 : memref<1x128xi32, #tpu.memory_space<vmem>> -> memref<128xi32, #tpu.memory_space<vmem>>
      %dma_start3A_303 = arith.constant 0 : i32
      %dma_start3A_304 = arith.constant 0 : i32
      %dma_start3A_305 = tpu.memref_slice %arg9[%dma_start3A_303, %dma_start3A_304] : memref<10240x16xf32, #tpu.memory_space<vmem_shared>> -> memref<10240x16xf32, #tpu.memory_space<vmem_shared>>
      tpu.enqueue_indirect_dma source(%dma_start3A_299 : memref<128x16xf32, #tpu.memory_space<vmem>>) target(%dma_start3A_305 : memref<10240x16xf32, #tpu.memory_space<vmem_shared>>) offsets(%dma_start3A_302 : memref<128xi32, #tpu.memory_space<vmem>>) semaphore(%arg12 : memref<!tpu.dma_semaphore, #tpu.memory_space<semaphore_mem>>) {add = true}
      %dma_start3A_306 = arith.constant 11 : i32
      %dma_start3A_307 = arith.constant 1408 : i32
      %dma_start3A_308 = arith.constant 0 : i32
      %dma_start3A_309 = tpu.memref_slice %arg7[%dma_start3A_307, %dma_start3A_308] : memref<1664x16xf32, #tpu.memory_space<vmem>> -> memref<128x16xf32, #tpu.memory_space<vmem>>
      %dma_start3A_310 = arith.constant 0 : i32
      %dma_start3A_311 = tpu.memref_slice %arg6[%dma_start3A_306, %dma_start3A_310] : memref<13x128xi32, #tpu.memory_space<vmem>> -> memref<1x128xi32, #tpu.memory_space<vmem>>
      %dma_start3A_312 = tpu.memref_squeeze %dma_start3A_311 : memref<1x128xi32, #tpu.memory_space<vmem>> -> memref<128xi32, #tpu.memory_space<vmem>>
      %dma_start3A_313 = arith.constant 0 : i32
      %dma_start3A_314 = arith.constant 0 : i32
      %dma_start3A_315 = tpu.memref_slice %arg10[%dma_start3A_313, %dma_start3A_314] : memref<10240x16xf32, #tpu.memory_space<vmem_shared>> -> memref<10240x16xf32, #tpu.memory_space<vmem_shared>>
      tpu.enqueue_indirect_dma source(%dma_start3A_309 : memref<128x16xf32, #tpu.memory_space<vmem>>) target(%dma_start3A_315 : memref<10240x16xf32, #tpu.memory_space<vmem_shared>>) offsets(%dma_start3A_312 : memref<128xi32, #tpu.memory_space<vmem>>) semaphore(%arg12 : memref<!tpu.dma_semaphore, #tpu.memory_space<semaphore_mem>>) {add = true}
      %dma_start3A_316 = arith.constant 12 : i32
      %dma_start3A_317 = arith.constant 1536 : i32
      %dma_start3A_318 = arith.constant 0 : i32
      %dma_start3A_319 = tpu.memref_slice %arg7[%dma_start3A_317, %dma_start3A_318] : memref<1664x16xf32, #tpu.memory_space<vmem>> -> memref<128x16xf32, #tpu.memory_space<vmem>>
      %dma_start3A_320 = arith.constant 0 : i32
      %dma_start3A_321 = tpu.memref_slice %arg5[%dma_start3A_316, %dma_start3A_320] : memref<13x128xi32, #tpu.memory_space<vmem>> -> memref<1x128xi32, #tpu.memory_space<vmem>>
      %dma_start3A_322 = tpu.memref_squeeze %dma_start3A_321 : memref<1x128xi32, #tpu.memory_space<vmem>> -> memref<128xi32, #tpu.memory_space<vmem>>
      %dma_start3A_323 = arith.constant 0 : i32
      %dma_start3A_324 = arith.constant 0 : i32
      %dma_start3A_325 = tpu.memref_slice %arg9[%dma_start3A_323, %dma_start3A_324] : memref<10240x16xf32, #tpu.memory_space<vmem_shared>> -> memref<10240x16xf32, #tpu.memory_space<vmem_shared>>
      tpu.enqueue_indirect_dma source(%dma_start3A_319 : memref<128x16xf32, #tpu.memory_space<vmem>>) target(%dma_start3A_325 : memref<10240x16xf32, #tpu.memory_space<vmem_shared>>) offsets(%dma_start3A_322 : memref<128xi32, #tpu.memory_space<vmem>>) semaphore(%arg12 : memref<!tpu.dma_semaphore, #tpu.memory_space<semaphore_mem>>) {add = true}
      %dma_start3A_326 = arith.constant 12 : i32
      %dma_start3A_327 = arith.constant 1536 : i32
      %dma_start3A_328 = arith.constant 0 : i32
      %dma_start3A_329 = tpu.memref_slice %arg7[%dma_start3A_327, %dma_start3A_328] : memref<1664x16xf32, #tpu.memory_space<vmem>> -> memref<128x16xf32, #tpu.memory_space<vmem>>
      %dma_start3A_330 = arith.constant 0 : i32
      %dma_start3A_331 = tpu.memref_slice %arg6[%dma_start3A_326, %dma_start3A_330] : memref<13x128xi32, #tpu.memory_space<vmem>> -> memref<1x128xi32, #tpu.memory_space<vmem>>
      %dma_start3A_332 = tpu.memref_squeeze %dma_start3A_331 : memref<1x128xi32, #tpu.memory_space<vmem>> -> memref<128xi32, #tpu.memory_space<vmem>>
      %dma_start3A_333 = arith.constant 0 : i32
      %dma_start3A_334 = arith.constant 0 : i32
      %dma_start3A_335 = tpu.memref_slice %arg10[%dma_start3A_333, %dma_start3A_334] : memref<10240x16xf32, #tpu.memory_space<vmem_shared>> -> memref<10240x16xf32, #tpu.memory_space<vmem_shared>>
      tpu.enqueue_indirect_dma source(%dma_start3A_329 : memref<128x16xf32, #tpu.memory_space<vmem>>) target(%dma_start3A_335 : memref<10240x16xf32, #tpu.memory_space<vmem_shared>>) offsets(%dma_start3A_332 : memref<128xi32, #tpu.memory_space<vmem>>) semaphore(%arg12 : memref<!tpu.dma_semaphore, #tpu.memory_space<semaphore_mem>>) {add = true}
      %dma_wait3A_336 = arith.constant 0 : i32
      %dma_wait3A_337 = arith.constant 0 : i32
      %dma_wait3A_338 = arith.constant 0 : i32
      %dma_wait3A_339 = tpu.memref_slice %arg7[%dma_wait3A_337, %dma_wait3A_338] : memref<1664x16xf32, #tpu.memory_space<vmem>> -> memref<128x16xf32, #tpu.memory_space<vmem>>
      %dma_wait3A_340 = arith.constant 0 : i32
      %dma_wait3A_341 = tpu.memref_slice %arg5[%dma_wait3A_336, %dma_wait3A_340] : memref<13x128xi32, #tpu.memory_space<vmem>> -> memref<1x128xi32, #tpu.memory_space<vmem>>
      %dma_wait3A_342 = tpu.memref_squeeze %dma_wait3A_341 : memref<1x128xi32, #tpu.memory_space<vmem>> -> memref<128xi32, #tpu.memory_space<vmem>>
      %dma_wait3A_343 = arith.constant 0 : i32
      %dma_wait3A_344 = arith.constant 0 : i32
      %dma_wait3A_345 = tpu.memref_slice %arg9[%dma_wait3A_343, %dma_wait3A_344] : memref<10240x16xf32, #tpu.memory_space<vmem_shared>> -> memref<10240x16xf32, #tpu.memory_space<vmem_shared>>
      tpu.wait_indirect_dma semaphore(%arg12 : memref<!tpu.dma_semaphore, #tpu.memory_space<semaphore_mem>>) src(%dma_wait3A_339 : memref<128x16xf32, #tpu.memory_space<vmem>>) dst(%dma_wait3A_345 : memref<10240x16xf32, #tpu.memory_space<vmem_shared>>)
      %dma_wait3A_346 = arith.constant 0 : i32
      %dma_wait3A_347 = arith.constant 0 : i32
      %dma_wait3A_348 = arith.constant 0 : i32
      %dma_wait3A_349 = tpu.memref_slice %arg7[%dma_wait3A_347, %dma_wait3A_348] : memref<1664x16xf32, #tpu.memory_space<vmem>> -> memref<128x16xf32, #tpu.memory_space<vmem>>
      %dma_wait3A_350 = arith.constant 0 : i32
      %dma_wait3A_351 = tpu.memref_slice %arg6[%dma_wait3A_346, %dma_wait3A_350] : memref<13x128xi32, #tpu.memory_space<vmem>> -> memref<1x128xi32, #tpu.memory_space<vmem>>
      %dma_wait3A_352 = tpu.memref_squeeze %dma_wait3A_351 : memref<1x128xi32, #tpu.memory_space<vmem>> -> memref<128xi32, #tpu.memory_space<vmem>>
      %dma_wait3A_353 = arith.constant 0 : i32
      %dma_wait3A_354 = arith.constant 0 : i32
      %dma_wait3A_355 = tpu.memref_slice %arg10[%dma_wait3A_353, %dma_wait3A_354] : memref<10240x16xf32, #tpu.memory_space<vmem_shared>> -> memref<10240x16xf32, #tpu.memory_space<vmem_shared>>
      tpu.wait_indirect_dma semaphore(%arg12 : memref<!tpu.dma_semaphore, #tpu.memory_space<semaphore_mem>>) src(%dma_wait3A_349 : memref<128x16xf32, #tpu.memory_space<vmem>>) dst(%dma_wait3A_355 : memref<10240x16xf32, #tpu.memory_space<vmem_shared>>)
      %dma_wait3A_356 = arith.constant 1 : i32
      %dma_wait3A_357 = arith.constant 128 : i32
      %dma_wait3A_358 = arith.constant 0 : i32
      %dma_wait3A_359 = tpu.memref_slice %arg7[%dma_wait3A_357, %dma_wait3A_358] : memref<1664x16xf32, #tpu.memory_space<vmem>> -> memref<128x16xf32, #tpu.memory_space<vmem>>
      %dma_wait3A_360 = arith.constant 0 : i32
      %dma_wait3A_361 = tpu.memref_slice %arg5[%dma_wait3A_356, %dma_wait3A_360] : memref<13x128xi32, #tpu.memory_space<vmem>> -> memref<1x128xi32, #tpu.memory_space<vmem>>
      %dma_wait3A_362 = tpu.memref_squeeze %dma_wait3A_361 : memref<1x128xi32, #tpu.memory_space<vmem>> -> memref<128xi32, #tpu.memory_space<vmem>>
      %dma_wait3A_363 = arith.constant 0 : i32
      %dma_wait3A_364 = arith.constant 0 : i32
      %dma_wait3A_365 = tpu.memref_slice %arg9[%dma_wait3A_363, %dma_wait3A_364] : memref<10240x16xf32, #tpu.memory_space<vmem_shared>> -> memref<10240x16xf32, #tpu.memory_space<vmem_shared>>
      tpu.wait_indirect_dma semaphore(%arg12 : memref<!tpu.dma_semaphore, #tpu.memory_space<semaphore_mem>>) src(%dma_wait3A_359 : memref<128x16xf32, #tpu.memory_space<vmem>>) dst(%dma_wait3A_365 : memref<10240x16xf32, #tpu.memory_space<vmem_shared>>)
      %dma_wait3A_366 = arith.constant 1 : i32
      %dma_wait3A_367 = arith.constant 128 : i32
      %dma_wait3A_368 = arith.constant 0 : i32
      %dma_wait3A_369 = tpu.memref_slice %arg7[%dma_wait3A_367, %dma_wait3A_368] : memref<1664x16xf32, #tpu.memory_space<vmem>> -> memref<128x16xf32, #tpu.memory_space<vmem>>
      %dma_wait3A_370 = arith.constant 0 : i32
      %dma_wait3A_371 = tpu.memref_slice %arg6[%dma_wait3A_366, %dma_wait3A_370] : memref<13x128xi32, #tpu.memory_space<vmem>> -> memref<1x128xi32, #tpu.memory_space<vmem>>
      %dma_wait3A_372 = tpu.memref_squeeze %dma_wait3A_371 : memref<1x128xi32, #tpu.memory_space<vmem>> -> memref<128xi32, #tpu.memory_space<vmem>>
      %dma_wait3A_373 = arith.constant 0 : i32
      %dma_wait3A_374 = arith.constant 0 : i32
      %dma_wait3A_375 = tpu.memref_slice %arg10[%dma_wait3A_373, %dma_wait3A_374] : memref<10240x16xf32, #tpu.memory_space<vmem_shared>> -> memref<10240x16xf32, #tpu.memory_space<vmem_shared>>
      tpu.wait_indirect_dma semaphore(%arg12 : memref<!tpu.dma_semaphore, #tpu.memory_space<semaphore_mem>>) src(%dma_wait3A_369 : memref<128x16xf32, #tpu.memory_space<vmem>>) dst(%dma_wait3A_375 : memref<10240x16xf32, #tpu.memory_space<vmem_shared>>)
      %dma_wait3A_376 = arith.constant 2 : i32
      %dma_wait3A_377 = arith.constant 256 : i32
      %dma_wait3A_378 = arith.constant 0 : i32
      %dma_wait3A_379 = tpu.memref_slice %arg7[%dma_wait3A_377, %dma_wait3A_378] : memref<1664x16xf32, #tpu.memory_space<vmem>> -> memref<128x16xf32, #tpu.memory_space<vmem>>
      %dma_wait3A_380 = arith.constant 0 : i32
      %dma_wait3A_381 = tpu.memref_slice %arg5[%dma_wait3A_376, %dma_wait3A_380] : memref<13x128xi32, #tpu.memory_space<vmem>> -> memref<1x128xi32, #tpu.memory_space<vmem>>
      %dma_wait3A_382 = tpu.memref_squeeze %dma_wait3A_381 : memref<1x128xi32, #tpu.memory_space<vmem>> -> memref<128xi32, #tpu.memory_space<vmem>>
      %dma_wait3A_383 = arith.constant 0 : i32
      %dma_wait3A_384 = arith.constant 0 : i32
      %dma_wait3A_385 = tpu.memref_slice %arg9[%dma_wait3A_383, %dma_wait3A_384] : memref<10240x16xf32, #tpu.memory_space<vmem_shared>> -> memref<10240x16xf32, #tpu.memory_space<vmem_shared>>
      tpu.wait_indirect_dma semaphore(%arg12 : memref<!tpu.dma_semaphore, #tpu.memory_space<semaphore_mem>>) src(%dma_wait3A_379 : memref<128x16xf32, #tpu.memory_space<vmem>>) dst(%dma_wait3A_385 : memref<10240x16xf32, #tpu.memory_space<vmem_shared>>)
      %dma_wait3A_386 = arith.constant 2 : i32
      %dma_wait3A_387 = arith.constant 256 : i32
      %dma_wait3A_388 = arith.constant 0 : i32
      %dma_wait3A_389 = tpu.memref_slice %arg7[%dma_wait3A_387, %dma_wait3A_388] : memref<1664x16xf32, #tpu.memory_space<vmem>> -> memref<128x16xf32, #tpu.memory_space<vmem>>
      %dma_wait3A_390 = arith.constant 0 : i32
      %dma_wait3A_391 = tpu.memref_slice %arg6[%dma_wait3A_386, %dma_wait3A_390] : memref<13x128xi32, #tpu.memory_space<vmem>> -> memref<1x128xi32, #tpu.memory_space<vmem>>
      %dma_wait3A_392 = tpu.memref_squeeze %dma_wait3A_391 : memref<1x128xi32, #tpu.memory_space<vmem>> -> memref<128xi32, #tpu.memory_space<vmem>>
      %dma_wait3A_393 = arith.constant 0 : i32
      %dma_wait3A_394 = arith.constant 0 : i32
      %dma_wait3A_395 = tpu.memref_slice %arg10[%dma_wait3A_393, %dma_wait3A_394] : memref<10240x16xf32, #tpu.memory_space<vmem_shared>> -> memref<10240x16xf32, #tpu.memory_space<vmem_shared>>
      tpu.wait_indirect_dma semaphore(%arg12 : memref<!tpu.dma_semaphore, #tpu.memory_space<semaphore_mem>>) src(%dma_wait3A_389 : memref<128x16xf32, #tpu.memory_space<vmem>>) dst(%dma_wait3A_395 : memref<10240x16xf32, #tpu.memory_space<vmem_shared>>)
      %dma_wait3A_396 = arith.constant 3 : i32
      %dma_wait3A_397 = arith.constant 384 : i32
      %dma_wait3A_398 = arith.constant 0 : i32
      %dma_wait3A_399 = tpu.memref_slice %arg7[%dma_wait3A_397, %dma_wait3A_398] : memref<1664x16xf32, #tpu.memory_space<vmem>> -> memref<128x16xf32, #tpu.memory_space<vmem>>
      %dma_wait3A_400 = arith.constant 0 : i32
      %dma_wait3A_401 = tpu.memref_slice %arg5[%dma_wait3A_396, %dma_wait3A_400] : memref<13x128xi32, #tpu.memory_space<vmem>> -> memref<1x128xi32, #tpu.memory_space<vmem>>
      %dma_wait3A_402 = tpu.memref_squeeze %dma_wait3A_401 : memref<1x128xi32, #tpu.memory_space<vmem>> -> memref<128xi32, #tpu.memory_space<vmem>>
      %dma_wait3A_403 = arith.constant 0 : i32
      %dma_wait3A_404 = arith.constant 0 : i32
      %dma_wait3A_405 = tpu.memref_slice %arg9[%dma_wait3A_403, %dma_wait3A_404] : memref<10240x16xf32, #tpu.memory_space<vmem_shared>> -> memref<10240x16xf32, #tpu.memory_space<vmem_shared>>
      tpu.wait_indirect_dma semaphore(%arg12 : memref<!tpu.dma_semaphore, #tpu.memory_space<semaphore_mem>>) src(%dma_wait3A_399 : memref<128x16xf32, #tpu.memory_space<vmem>>) dst(%dma_wait3A_405 : memref<10240x16xf32, #tpu.memory_space<vmem_shared>>)
      %dma_wait3A_406 = arith.constant 3 : i32
      %dma_wait3A_407 = arith.constant 384 : i32
      %dma_wait3A_408 = arith.constant 0 : i32
      %dma_wait3A_409 = tpu.memref_slice %arg7[%dma_wait3A_407, %dma_wait3A_408] : memref<1664x16xf32, #tpu.memory_space<vmem>> -> memref<128x16xf32, #tpu.memory_space<vmem>>
      %dma_wait3A_410 = arith.constant 0 : i32
      %dma_wait3A_411 = tpu.memref_slice %arg6[%dma_wait3A_406, %dma_wait3A_410] : memref<13x128xi32, #tpu.memory_space<vmem>> -> memref<1x128xi32, #tpu.memory_space<vmem>>
      %dma_wait3A_412 = tpu.memref_squeeze %dma_wait3A_411 : memref<1x128xi32, #tpu.memory_space<vmem>> -> memref<128xi32, #tpu.memory_space<vmem>>
      %dma_wait3A_413 = arith.constant 0 : i32
      %dma_wait3A_414 = arith.constant 0 : i32
      %dma_wait3A_415 = tpu.memref_slice %arg10[%dma_wait3A_413, %dma_wait3A_414] : memref<10240x16xf32, #tpu.memory_space<vmem_shared>> -> memref<10240x16xf32, #tpu.memory_space<vmem_shared>>
      tpu.wait_indirect_dma semaphore(%arg12 : memref<!tpu.dma_semaphore, #tpu.memory_space<semaphore_mem>>) src(%dma_wait3A_409 : memref<128x16xf32, #tpu.memory_space<vmem>>) dst(%dma_wait3A_415 : memref<10240x16xf32, #tpu.memory_space<vmem_shared>>)
      %dma_wait3A_416 = arith.constant 4 : i32
      %dma_wait3A_417 = arith.constant 512 : i32
      %dma_wait3A_418 = arith.constant 0 : i32
      %dma_wait3A_419 = tpu.memref_slice %arg7[%dma_wait3A_417, %dma_wait3A_418] : memref<1664x16xf32, #tpu.memory_space<vmem>> -> memref<128x16xf32, #tpu.memory_space<vmem>>
      %dma_wait3A_420 = arith.constant 0 : i32
      %dma_wait3A_421 = tpu.memref_slice %arg5[%dma_wait3A_416, %dma_wait3A_420] : memref<13x128xi32, #tpu.memory_space<vmem>> -> memref<1x128xi32, #tpu.memory_space<vmem>>
      %dma_wait3A_422 = tpu.memref_squeeze %dma_wait3A_421 : memref<1x128xi32, #tpu.memory_space<vmem>> -> memref<128xi32, #tpu.memory_space<vmem>>
      %dma_wait3A_423 = arith.constant 0 : i32
      %dma_wait3A_424 = arith.constant 0 : i32
      %dma_wait3A_425 = tpu.memref_slice %arg9[%dma_wait3A_423, %dma_wait3A_424] : memref<10240x16xf32, #tpu.memory_space<vmem_shared>> -> memref<10240x16xf32, #tpu.memory_space<vmem_shared>>
      tpu.wait_indirect_dma semaphore(%arg12 : memref<!tpu.dma_semaphore, #tpu.memory_space<semaphore_mem>>) src(%dma_wait3A_419 : memref<128x16xf32, #tpu.memory_space<vmem>>) dst(%dma_wait3A_425 : memref<10240x16xf32, #tpu.memory_space<vmem_shared>>)
      %dma_wait3A_426 = arith.constant 4 : i32
      %dma_wait3A_427 = arith.constant 512 : i32
      %dma_wait3A_428 = arith.constant 0 : i32
      %dma_wait3A_429 = tpu.memref_slice %arg7[%dma_wait3A_427, %dma_wait3A_428] : memref<1664x16xf32, #tpu.memory_space<vmem>> -> memref<128x16xf32, #tpu.memory_space<vmem>>
      %dma_wait3A_430 = arith.constant 0 : i32
      %dma_wait3A_431 = tpu.memref_slice %arg6[%dma_wait3A_426, %dma_wait3A_430] : memref<13x128xi32, #tpu.memory_space<vmem>> -> memref<1x128xi32, #tpu.memory_space<vmem>>
      %dma_wait3A_432 = tpu.memref_squeeze %dma_wait3A_431 : memref<1x128xi32, #tpu.memory_space<vmem>> -> memref<128xi32, #tpu.memory_space<vmem>>
      %dma_wait3A_433 = arith.constant 0 : i32
      %dma_wait3A_434 = arith.constant 0 : i32
      %dma_wait3A_435 = tpu.memref_slice %arg10[%dma_wait3A_433, %dma_wait3A_434] : memref<10240x16xf32, #tpu.memory_space<vmem_shared>> -> memref<10240x16xf32, #tpu.memory_space<vmem_shared>>
      tpu.wait_indirect_dma semaphore(%arg12 : memref<!tpu.dma_semaphore, #tpu.memory_space<semaphore_mem>>) src(%dma_wait3A_429 : memref<128x16xf32, #tpu.memory_space<vmem>>) dst(%dma_wait3A_435 : memref<10240x16xf32, #tpu.memory_space<vmem_shared>>)
      %dma_wait3A_436 = arith.constant 5 : i32
      %dma_wait3A_437 = arith.constant 640 : i32
      %dma_wait3A_438 = arith.constant 0 : i32
      %dma_wait3A_439 = tpu.memref_slice %arg7[%dma_wait3A_437, %dma_wait3A_438] : memref<1664x16xf32, #tpu.memory_space<vmem>> -> memref<128x16xf32, #tpu.memory_space<vmem>>
      %dma_wait3A_440 = arith.constant 0 : i32
      %dma_wait3A_441 = tpu.memref_slice %arg5[%dma_wait3A_436, %dma_wait3A_440] : memref<13x128xi32, #tpu.memory_space<vmem>> -> memref<1x128xi32, #tpu.memory_space<vmem>>
      %dma_wait3A_442 = tpu.memref_squeeze %dma_wait3A_441 : memref<1x128xi32, #tpu.memory_space<vmem>> -> memref<128xi32, #tpu.memory_space<vmem>>
      %dma_wait3A_443 = arith.constant 0 : i32
      %dma_wait3A_444 = arith.constant 0 : i32
      %dma_wait3A_445 = tpu.memref_slice %arg9[%dma_wait3A_443, %dma_wait3A_444] : memref<10240x16xf32, #tpu.memory_space<vmem_shared>> -> memref<10240x16xf32, #tpu.memory_space<vmem_shared>>
      tpu.wait_indirect_dma semaphore(%arg12 : memref<!tpu.dma_semaphore, #tpu.memory_space<semaphore_mem>>) src(%dma_wait3A_439 : memref<128x16xf32, #tpu.memory_space<vmem>>) dst(%dma_wait3A_445 : memref<10240x16xf32, #tpu.memory_space<vmem_shared>>)
      %dma_wait3A_446 = arith.constant 5 : i32
      %dma_wait3A_447 = arith.constant 640 : i32
      %dma_wait3A_448 = arith.constant 0 : i32
      %dma_wait3A_449 = tpu.memref_slice %arg7[%dma_wait3A_447, %dma_wait3A_448] : memref<1664x16xf32, #tpu.memory_space<vmem>> -> memref<128x16xf32, #tpu.memory_space<vmem>>
      %dma_wait3A_450 = arith.constant 0 : i32
      %dma_wait3A_451 = tpu.memref_slice %arg6[%dma_wait3A_446, %dma_wait3A_450] : memref<13x128xi32, #tpu.memory_space<vmem>> -> memref<1x128xi32, #tpu.memory_space<vmem>>
      %dma_wait3A_452 = tpu.memref_squeeze %dma_wait3A_451 : memref<1x128xi32, #tpu.memory_space<vmem>> -> memref<128xi32, #tpu.memory_space<vmem>>
      %dma_wait3A_453 = arith.constant 0 : i32
      %dma_wait3A_454 = arith.constant 0 : i32
      %dma_wait3A_455 = tpu.memref_slice %arg10[%dma_wait3A_453, %dma_wait3A_454] : memref<10240x16xf32, #tpu.memory_space<vmem_shared>> -> memref<10240x16xf32, #tpu.memory_space<vmem_shared>>
      tpu.wait_indirect_dma semaphore(%arg12 : memref<!tpu.dma_semaphore, #tpu.memory_space<semaphore_mem>>) src(%dma_wait3A_449 : memref<128x16xf32, #tpu.memory_space<vmem>>) dst(%dma_wait3A_455 : memref<10240x16xf32, #tpu.memory_space<vmem_shared>>)
      %dma_wait3A_456 = arith.constant 6 : i32
      %dma_wait3A_457 = arith.constant 768 : i32
      %dma_wait3A_458 = arith.constant 0 : i32
      %dma_wait3A_459 = tpu.memref_slice %arg7[%dma_wait3A_457, %dma_wait3A_458] : memref<1664x16xf32, #tpu.memory_space<vmem>> -> memref<128x16xf32, #tpu.memory_space<vmem>>
      %dma_wait3A_460 = arith.constant 0 : i32
      %dma_wait3A_461 = tpu.memref_slice %arg5[%dma_wait3A_456, %dma_wait3A_460] : memref<13x128xi32, #tpu.memory_space<vmem>> -> memref<1x128xi32, #tpu.memory_space<vmem>>
      %dma_wait3A_462 = tpu.memref_squeeze %dma_wait3A_461 : memref<1x128xi32, #tpu.memory_space<vmem>> -> memref<128xi32, #tpu.memory_space<vmem>>
      %dma_wait3A_463 = arith.constant 0 : i32
      %dma_wait3A_464 = arith.constant 0 : i32
      %dma_wait3A_465 = tpu.memref_slice %arg9[%dma_wait3A_463, %dma_wait3A_464] : memref<10240x16xf32, #tpu.memory_space<vmem_shared>> -> memref<10240x16xf32, #tpu.memory_space<vmem_shared>>
      tpu.wait_indirect_dma semaphore(%arg12 : memref<!tpu.dma_semaphore, #tpu.memory_space<semaphore_mem>>) src(%dma_wait3A_459 : memref<128x16xf32, #tpu.memory_space<vmem>>) dst(%dma_wait3A_465 : memref<10240x16xf32, #tpu.memory_space<vmem_shared>>)
      %dma_wait3A_466 = arith.constant 6 : i32
      %dma_wait3A_467 = arith.constant 768 : i32
      %dma_wait3A_468 = arith.constant 0 : i32
      %dma_wait3A_469 = tpu.memref_slice %arg7[%dma_wait3A_467, %dma_wait3A_468] : memref<1664x16xf32, #tpu.memory_space<vmem>> -> memref<128x16xf32, #tpu.memory_space<vmem>>
      %dma_wait3A_470 = arith.constant 0 : i32
      %dma_wait3A_471 = tpu.memref_slice %arg6[%dma_wait3A_466, %dma_wait3A_470] : memref<13x128xi32, #tpu.memory_space<vmem>> -> memref<1x128xi32, #tpu.memory_space<vmem>>
      %dma_wait3A_472 = tpu.memref_squeeze %dma_wait3A_471 : memref<1x128xi32, #tpu.memory_space<vmem>> -> memref<128xi32, #tpu.memory_space<vmem>>
      %dma_wait3A_473 = arith.constant 0 : i32
      %dma_wait3A_474 = arith.constant 0 : i32
      %dma_wait3A_475 = tpu.memref_slice %arg10[%dma_wait3A_473, %dma_wait3A_474] : memref<10240x16xf32, #tpu.memory_space<vmem_shared>> -> memref<10240x16xf32, #tpu.memory_space<vmem_shared>>
      tpu.wait_indirect_dma semaphore(%arg12 : memref<!tpu.dma_semaphore, #tpu.memory_space<semaphore_mem>>) src(%dma_wait3A_469 : memref<128x16xf32, #tpu.memory_space<vmem>>) dst(%dma_wait3A_475 : memref<10240x16xf32, #tpu.memory_space<vmem_shared>>)
      %dma_wait3A_476 = arith.constant 7 : i32
      %dma_wait3A_477 = arith.constant 896 : i32
      %dma_wait3A_478 = arith.constant 0 : i32
      %dma_wait3A_479 = tpu.memref_slice %arg7[%dma_wait3A_477, %dma_wait3A_478] : memref<1664x16xf32, #tpu.memory_space<vmem>> -> memref<128x16xf32, #tpu.memory_space<vmem>>
      %dma_wait3A_480 = arith.constant 0 : i32
      %dma_wait3A_481 = tpu.memref_slice %arg5[%dma_wait3A_476, %dma_wait3A_480] : memref<13x128xi32, #tpu.memory_space<vmem>> -> memref<1x128xi32, #tpu.memory_space<vmem>>
      %dma_wait3A_482 = tpu.memref_squeeze %dma_wait3A_481 : memref<1x128xi32, #tpu.memory_space<vmem>> -> memref<128xi32, #tpu.memory_space<vmem>>
      %dma_wait3A_483 = arith.constant 0 : i32
      %dma_wait3A_484 = arith.constant 0 : i32
      %dma_wait3A_485 = tpu.memref_slice %arg9[%dma_wait3A_483, %dma_wait3A_484] : memref<10240x16xf32, #tpu.memory_space<vmem_shared>> -> memref<10240x16xf32, #tpu.memory_space<vmem_shared>>
      tpu.wait_indirect_dma semaphore(%arg12 : memref<!tpu.dma_semaphore, #tpu.memory_space<semaphore_mem>>) src(%dma_wait3A_479 : memref<128x16xf32, #tpu.memory_space<vmem>>) dst(%dma_wait3A_485 : memref<10240x16xf32, #tpu.memory_space<vmem_shared>>)
      %dma_wait3A_486 = arith.constant 7 : i32
      %dma_wait3A_487 = arith.constant 896 : i32
      %dma_wait3A_488 = arith.constant 0 : i32
      %dma_wait3A_489 = tpu.memref_slice %arg7[%dma_wait3A_487, %dma_wait3A_488] : memref<1664x16xf32, #tpu.memory_space<vmem>> -> memref<128x16xf32, #tpu.memory_space<vmem>>
      %dma_wait3A_490 = arith.constant 0 : i32
      %dma_wait3A_491 = tpu.memref_slice %arg6[%dma_wait3A_486, %dma_wait3A_490] : memref<13x128xi32, #tpu.memory_space<vmem>> -> memref<1x128xi32, #tpu.memory_space<vmem>>
      %dma_wait3A_492 = tpu.memref_squeeze %dma_wait3A_491 : memref<1x128xi32, #tpu.memory_space<vmem>> -> memref<128xi32, #tpu.memory_space<vmem>>
      %dma_wait3A_493 = arith.constant 0 : i32
      %dma_wait3A_494 = arith.constant 0 : i32
      %dma_wait3A_495 = tpu.memref_slice %arg10[%dma_wait3A_493, %dma_wait3A_494] : memref<10240x16xf32, #tpu.memory_space<vmem_shared>> -> memref<10240x16xf32, #tpu.memory_space<vmem_shared>>
      tpu.wait_indirect_dma semaphore(%arg12 : memref<!tpu.dma_semaphore, #tpu.memory_space<semaphore_mem>>) src(%dma_wait3A_489 : memref<128x16xf32, #tpu.memory_space<vmem>>) dst(%dma_wait3A_495 : memref<10240x16xf32, #tpu.memory_space<vmem_shared>>)
      %dma_wait3A_496 = arith.constant 8 : i32
      %dma_wait3A_497 = arith.constant 1024 : i32
      %dma_wait3A_498 = arith.constant 0 : i32
      %dma_wait3A_499 = tpu.memref_slice %arg7[%dma_wait3A_497, %dma_wait3A_498] : memref<1664x16xf32, #tpu.memory_space<vmem>> -> memref<128x16xf32, #tpu.memory_space<vmem>>
      %dma_wait3A_500 = arith.constant 0 : i32
      %dma_wait3A_501 = tpu.memref_slice %arg5[%dma_wait3A_496, %dma_wait3A_500] : memref<13x128xi32, #tpu.memory_space<vmem>> -> memref<1x128xi32, #tpu.memory_space<vmem>>
      %dma_wait3A_502 = tpu.memref_squeeze %dma_wait3A_501 : memref<1x128xi32, #tpu.memory_space<vmem>> -> memref<128xi32, #tpu.memory_space<vmem>>
      %dma_wait3A_503 = arith.constant 0 : i32
      %dma_wait3A_504 = arith.constant 0 : i32
      %dma_wait3A_505 = tpu.memref_slice %arg9[%dma_wait3A_503, %dma_wait3A_504] : memref<10240x16xf32, #tpu.memory_space<vmem_shared>> -> memref<10240x16xf32, #tpu.memory_space<vmem_shared>>
      tpu.wait_indirect_dma semaphore(%arg12 : memref<!tpu.dma_semaphore, #tpu.memory_space<semaphore_mem>>) src(%dma_wait3A_499 : memref<128x16xf32, #tpu.memory_space<vmem>>) dst(%dma_wait3A_505 : memref<10240x16xf32, #tpu.memory_space<vmem_shared>>)
      %dma_wait3A_506 = arith.constant 8 : i32
      %dma_wait3A_507 = arith.constant 1024 : i32
      %dma_wait3A_508 = arith.constant 0 : i32
      %dma_wait3A_509 = tpu.memref_slice %arg7[%dma_wait3A_507, %dma_wait3A_508] : memref<1664x16xf32, #tpu.memory_space<vmem>> -> memref<128x16xf32, #tpu.memory_space<vmem>>
      %dma_wait3A_510 = arith.constant 0 : i32
      %dma_wait3A_511 = tpu.memref_slice %arg6[%dma_wait3A_506, %dma_wait3A_510] : memref<13x128xi32, #tpu.memory_space<vmem>> -> memref<1x128xi32, #tpu.memory_space<vmem>>
      %dma_wait3A_512 = tpu.memref_squeeze %dma_wait3A_511 : memref<1x128xi32, #tpu.memory_space<vmem>> -> memref<128xi32, #tpu.memory_space<vmem>>
      %dma_wait3A_513 = arith.constant 0 : i32
      %dma_wait3A_514 = arith.constant 0 : i32
      %dma_wait3A_515 = tpu.memref_slice %arg10[%dma_wait3A_513, %dma_wait3A_514] : memref<10240x16xf32, #tpu.memory_space<vmem_shared>> -> memref<10240x16xf32, #tpu.memory_space<vmem_shared>>
      tpu.wait_indirect_dma semaphore(%arg12 : memref<!tpu.dma_semaphore, #tpu.memory_space<semaphore_mem>>) src(%dma_wait3A_509 : memref<128x16xf32, #tpu.memory_space<vmem>>) dst(%dma_wait3A_515 : memref<10240x16xf32, #tpu.memory_space<vmem_shared>>)
      %dma_wait3A_516 = arith.constant 9 : i32
      %dma_wait3A_517 = arith.constant 1152 : i32
      %dma_wait3A_518 = arith.constant 0 : i32
      %dma_wait3A_519 = tpu.memref_slice %arg7[%dma_wait3A_517, %dma_wait3A_518] : memref<1664x16xf32, #tpu.memory_space<vmem>> -> memref<128x16xf32, #tpu.memory_space<vmem>>
      %dma_wait3A_520 = arith.constant 0 : i32
      %dma_wait3A_521 = tpu.memref_slice %arg5[%dma_wait3A_516, %dma_wait3A_520] : memref<13x128xi32, #tpu.memory_space<vmem>> -> memref<1x128xi32, #tpu.memory_space<vmem>>
      %dma_wait3A_522 = tpu.memref_squeeze %dma_wait3A_521 : memref<1x128xi32, #tpu.memory_space<vmem>> -> memref<128xi32, #tpu.memory_space<vmem>>
      %dma_wait3A_523 = arith.constant 0 : i32
      %dma_wait3A_524 = arith.constant 0 : i32
      %dma_wait3A_525 = tpu.memref_slice %arg9[%dma_wait3A_523, %dma_wait3A_524] : memref<10240x16xf32, #tpu.memory_space<vmem_shared>> -> memref<10240x16xf32, #tpu.memory_space<vmem_shared>>
      tpu.wait_indirect_dma semaphore(%arg12 : memref<!tpu.dma_semaphore, #tpu.memory_space<semaphore_mem>>) src(%dma_wait3A_519 : memref<128x16xf32, #tpu.memory_space<vmem>>) dst(%dma_wait3A_525 : memref<10240x16xf32, #tpu.memory_space<vmem_shared>>)
      %dma_wait3A_526 = arith.constant 9 : i32
      %dma_wait3A_527 = arith.constant 1152 : i32
      %dma_wait3A_528 = arith.constant 0 : i32
      %dma_wait3A_529 = tpu.memref_slice %arg7[%dma_wait3A_527, %dma_wait3A_528] : memref<1664x16xf32, #tpu.memory_space<vmem>> -> memref<128x16xf32, #tpu.memory_space<vmem>>
      %dma_wait3A_530 = arith.constant 0 : i32
      %dma_wait3A_531 = tpu.memref_slice %arg6[%dma_wait3A_526, %dma_wait3A_530] : memref<13x128xi32, #tpu.memory_space<vmem>> -> memref<1x128xi32, #tpu.memory_space<vmem>>
      %dma_wait3A_532 = tpu.memref_squeeze %dma_wait3A_531 : memref<1x128xi32, #tpu.memory_space<vmem>> -> memref<128xi32, #tpu.memory_space<vmem>>
      %dma_wait3A_533 = arith.constant 0 : i32
      %dma_wait3A_534 = arith.constant 0 : i32
      %dma_wait3A_535 = tpu.memref_slice %arg10[%dma_wait3A_533, %dma_wait3A_534] : memref<10240x16xf32, #tpu.memory_space<vmem_shared>> -> memref<10240x16xf32, #tpu.memory_space<vmem_shared>>
      tpu.wait_indirect_dma semaphore(%arg12 : memref<!tpu.dma_semaphore, #tpu.memory_space<semaphore_mem>>) src(%dma_wait3A_529 : memref<128x16xf32, #tpu.memory_space<vmem>>) dst(%dma_wait3A_535 : memref<10240x16xf32, #tpu.memory_space<vmem_shared>>)
      %dma_wait3A_536 = arith.constant 10 : i32
      %dma_wait3A_537 = arith.constant 1280 : i32
      %dma_wait3A_538 = arith.constant 0 : i32
      %dma_wait3A_539 = tpu.memref_slice %arg7[%dma_wait3A_537, %dma_wait3A_538] : memref<1664x16xf32, #tpu.memory_space<vmem>> -> memref<128x16xf32, #tpu.memory_space<vmem>>
      %dma_wait3A_540 = arith.constant 0 : i32
      %dma_wait3A_541 = tpu.memref_slice %arg5[%dma_wait3A_536, %dma_wait3A_540] : memref<13x128xi32, #tpu.memory_space<vmem>> -> memref<1x128xi32, #tpu.memory_space<vmem>>
      %dma_wait3A_542 = tpu.memref_squeeze %dma_wait3A_541 : memref<1x128xi32, #tpu.memory_space<vmem>> -> memref<128xi32, #tpu.memory_space<vmem>>
      %dma_wait3A_543 = arith.constant 0 : i32
      %dma_wait3A_544 = arith.constant 0 : i32
      %dma_wait3A_545 = tpu.memref_slice %arg9[%dma_wait3A_543, %dma_wait3A_544] : memref<10240x16xf32, #tpu.memory_space<vmem_shared>> -> memref<10240x16xf32, #tpu.memory_space<vmem_shared>>
      tpu.wait_indirect_dma semaphore(%arg12 : memref<!tpu.dma_semaphore, #tpu.memory_space<semaphore_mem>>) src(%dma_wait3A_539 : memref<128x16xf32, #tpu.memory_space<vmem>>) dst(%dma_wait3A_545 : memref<10240x16xf32, #tpu.memory_space<vmem_shared>>)
      %dma_wait3A_546 = arith.constant 10 : i32
      %dma_wait3A_547 = arith.constant 1280 : i32
      %dma_wait3A_548 = arith.constant 0 : i32
      %dma_wait3A_549 = tpu.memref_slice %arg7[%dma_wait3A_547, %dma_wait3A_548] : memref<1664x16xf32, #tpu.memory_space<vmem>> -> memref<128x16xf32, #tpu.memory_space<vmem>>
      %dma_wait3A_550 = arith.constant 0 : i32
      %dma_wait3A_551 = tpu.memref_slice %arg6[%dma_wait3A_546, %dma_wait3A_550] : memref<13x128xi32, #tpu.memory_space<vmem>> -> memref<1x128xi32, #tpu.memory_space<vmem>>
      %dma_wait3A_552 = tpu.memref_squeeze %dma_wait3A_551 : memref<1x128xi32, #tpu.memory_space<vmem>> -> memref<128xi32, #tpu.memory_space<vmem>>
      %dma_wait3A_553 = arith.constant 0 : i32
      %dma_wait3A_554 = arith.constant 0 : i32
      %dma_wait3A_555 = tpu.memref_slice %arg10[%dma_wait3A_553, %dma_wait3A_554] : memref<10240x16xf32, #tpu.memory_space<vmem_shared>> -> memref<10240x16xf32, #tpu.memory_space<vmem_shared>>
      tpu.wait_indirect_dma semaphore(%arg12 : memref<!tpu.dma_semaphore, #tpu.memory_space<semaphore_mem>>) src(%dma_wait3A_549 : memref<128x16xf32, #tpu.memory_space<vmem>>) dst(%dma_wait3A_555 : memref<10240x16xf32, #tpu.memory_space<vmem_shared>>)
      %dma_wait3A_556 = arith.constant 11 : i32
      %dma_wait3A_557 = arith.constant 1408 : i32
      %dma_wait3A_558 = arith.constant 0 : i32
      %dma_wait3A_559 = tpu.memref_slice %arg7[%dma_wait3A_557, %dma_wait3A_558] : memref<1664x16xf32, #tpu.memory_space<vmem>> -> memref<128x16xf32, #tpu.memory_space<vmem>>
      %dma_wait3A_560 = arith.constant 0 : i32
      %dma_wait3A_561 = tpu.memref_slice %arg5[%dma_wait3A_556, %dma_wait3A_560] : memref<13x128xi32, #tpu.memory_space<vmem>> -> memref<1x128xi32, #tpu.memory_space<vmem>>
      %dma_wait3A_562 = tpu.memref_squeeze %dma_wait3A_561 : memref<1x128xi32, #tpu.memory_space<vmem>> -> memref<128xi32, #tpu.memory_space<vmem>>
      %dma_wait3A_563 = arith.constant 0 : i32
      %dma_wait3A_564 = arith.constant 0 : i32
      %dma_wait3A_565 = tpu.memref_slice %arg9[%dma_wait3A_563, %dma_wait3A_564] : memref<10240x16xf32, #tpu.memory_space<vmem_shared>> -> memref<10240x16xf32, #tpu.memory_space<vmem_shared>>
      tpu.wait_indirect_dma semaphore(%arg12 : memref<!tpu.dma_semaphore, #tpu.memory_space<semaphore_mem>>) src(%dma_wait3A_559 : memref<128x16xf32, #tpu.memory_space<vmem>>) dst(%dma_wait3A_565 : memref<10240x16xf32, #tpu.memory_space<vmem_shared>>)
      %dma_wait3A_566 = arith.constant 11 : i32
      %dma_wait3A_567 = arith.constant 1408 : i32
      %dma_wait3A_568 = arith.constant 0 : i32
      %dma_wait3A_569 = tpu.memref_slice %arg7[%dma_wait3A_567, %dma_wait3A_568] : memref<1664x16xf32, #tpu.memory_space<vmem>> -> memref<128x16xf32, #tpu.memory_space<vmem>>
      %dma_wait3A_570 = arith.constant 0 : i32
      %dma_wait3A_571 = tpu.memref_slice %arg6[%dma_wait3A_566, %dma_wait3A_570] : memref<13x128xi32, #tpu.memory_space<vmem>> -> memref<1x128xi32, #tpu.memory_space<vmem>>
      %dma_wait3A_572 = tpu.memref_squeeze %dma_wait3A_571 : memref<1x128xi32, #tpu.memory_space<vmem>> -> memref<128xi32, #tpu.memory_space<vmem>>
      %dma_wait3A_573 = arith.constant 0 : i32
      %dma_wait3A_574 = arith.constant 0 : i32
      %dma_wait3A_575 = tpu.memref_slice %arg10[%dma_wait3A_573, %dma_wait3A_574] : memref<10240x16xf32, #tpu.memory_space<vmem_shared>> -> memref<10240x16xf32, #tpu.memory_space<vmem_shared>>
      tpu.wait_indirect_dma semaphore(%arg12 : memref<!tpu.dma_semaphore, #tpu.memory_space<semaphore_mem>>) src(%dma_wait3A_569 : memref<128x16xf32, #tpu.memory_space<vmem>>) dst(%dma_wait3A_575 : memref<10240x16xf32, #tpu.memory_space<vmem_shared>>)
      %dma_wait3A_576 = arith.constant 12 : i32
      %dma_wait3A_577 = arith.constant 1536 : i32
      %dma_wait3A_578 = arith.constant 0 : i32
      %dma_wait3A_579 = tpu.memref_slice %arg7[%dma_wait3A_577, %dma_wait3A_578] : memref<1664x16xf32, #tpu.memory_space<vmem>> -> memref<128x16xf32, #tpu.memory_space<vmem>>
      %dma_wait3A_580 = arith.constant 0 : i32
      %dma_wait3A_581 = tpu.memref_slice %arg5[%dma_wait3A_576, %dma_wait3A_580] : memref<13x128xi32, #tpu.memory_space<vmem>> -> memref<1x128xi32, #tpu.memory_space<vmem>>
      %dma_wait3A_582 = tpu.memref_squeeze %dma_wait3A_581 : memref<1x128xi32, #tpu.memory_space<vmem>> -> memref<128xi32, #tpu.memory_space<vmem>>
      %dma_wait3A_583 = arith.constant 0 : i32
      %dma_wait3A_584 = arith.constant 0 : i32
      %dma_wait3A_585 = tpu.memref_slice %arg9[%dma_wait3A_583, %dma_wait3A_584] : memref<10240x16xf32, #tpu.memory_space<vmem_shared>> -> memref<10240x16xf32, #tpu.memory_space<vmem_shared>>
      tpu.wait_indirect_dma semaphore(%arg12 : memref<!tpu.dma_semaphore, #tpu.memory_space<semaphore_mem>>) src(%dma_wait3A_579 : memref<128x16xf32, #tpu.memory_space<vmem>>) dst(%dma_wait3A_585 : memref<10240x16xf32, #tpu.memory_space<vmem_shared>>)
      %dma_wait3A_586 = arith.constant 12 : i32
      %dma_wait3A_587 = arith.constant 1536 : i32
      %dma_wait3A_588 = arith.constant 0 : i32
      %dma_wait3A_589 = tpu.memref_slice %arg7[%dma_wait3A_587, %dma_wait3A_588] : memref<1664x16xf32, #tpu.memory_space<vmem>> -> memref<128x16xf32, #tpu.memory_space<vmem>>
      %dma_wait3A_590 = arith.constant 0 : i32
      %dma_wait3A_591 = tpu.memref_slice %arg6[%dma_wait3A_586, %dma_wait3A_590] : memref<13x128xi32, #tpu.memory_space<vmem>> -> memref<1x128xi32, #tpu.memory_space<vmem>>
      %dma_wait3A_592 = tpu.memref_squeeze %dma_wait3A_591 : memref<1x128xi32, #tpu.memory_space<vmem>> -> memref<128xi32, #tpu.memory_space<vmem>>
      %dma_wait3A_593 = arith.constant 0 : i32
      %dma_wait3A_594 = arith.constant 0 : i32
      %dma_wait3A_595 = tpu.memref_slice %arg10[%dma_wait3A_593, %dma_wait3A_594] : memref<10240x16xf32, #tpu.memory_space<vmem_shared>> -> memref<10240x16xf32, #tpu.memory_space<vmem_shared>>
      tpu.wait_indirect_dma semaphore(%arg12 : memref<!tpu.dma_semaphore, #tpu.memory_space<semaphore_mem>>) src(%dma_wait3A_589 : memref<128x16xf32, #tpu.memory_space<vmem>>) dst(%dma_wait3A_595 : memref<10240x16xf32, #tpu.memory_space<vmem_shared>>)
    }
    %scan3A_19 = arith.constant 6 : i32
    %add3A_20 = arith.constant 78 : i32
    %add3A_21 = arith.addi %add3A_10, %add3A_20 : i32
    %sub3A = arith.constant 0 : i32
    %sub3A_22 = arith.subi %add3A_14, %sub3A : i32
    %sub3A_23 = arith.constant 1 : i32
    %sub3A_24 = arith.constant 1 : i32
    %sub3A_25 = arith.subi %sub3A_23, %sub3A_24 : i32
    %add3A_26 = arith.addi %sub3A_22, %sub3A_25 : i32
    %div3A = arith.constant 1 : i32
    %div3A_27 = arith.divsi %add3A_26, %div3A : i32
    %while3A = arith.constant 1 : i32
    %while3A_28 = arith.constant 0 : i32
    %while3A_29 = arith.constant 0 : i32
    %while3A_30 = arith.subi %div3A_27, %while3A_29 : i32
    %while3A_31 = arith.addi %while3A_29, %while3A_30 : i32
    %while3A_32 = arith.constant 1 : i32
    %while3A_33 = arith.divsi %while3A_30, %while3A_32 : i32
    %while3A_34 = arith.muli %while3A_33, %while3A_32 : i32
    %while3A_35 = arith.addi %while3A_29, %while3A_34 : i32
    %while3A_36 = arith.constant 1 : i32
    scf.for %while3A_42 = %while3A_29 to %while3A_35 step %while3A_36  : i32 {
      %mul3A_43 = arith.muli %while3A_42, %while3A : i32
      %add3A_44 = arith.addi %while3A_28, %mul3A_43 : i32
      %add3A_45 = arith.addi %add3A_21, %add3A_44 : i32
      "tpu.region"() ({
        %run_scoped3A_52 = tpu.sem_alloc : memref<!tpu.dma_semaphore, #tpu.memory_space<semaphore_mem>>
        %dma_start3A = arith.constant 0 : i32
        %dma_start3A_53 = arith.constant 0 : i32
        %dma_start3A_54 = tpu.memref_slice %arg5[%dma_start3A, %dma_start3A_53] : memref<13x128xi32, #tpu.memory_space<vmem>> -> memref<1x128xi32, #tpu.memory_space<vmem>>
        %dma_start3A_55 = arith.constant 0 : i32
        %dma_start3A_56 = tpu.memref_slice %arg2[%add3A_45, %dma_start3A_55] : memref<5000x128xi32, #tpu.memory_space<hbm>> -> memref<1x128xi32, #tpu.memory_space<hbm>>
        %dma_start3A_57 = arith.constant 0 : i32
        %dma_start3A_58 = arith.constant 0 : i32
        %dma_start3A_59 = tpu.memref_slice %arg5[%dma_start3A_57, %dma_start3A_58] : memref<13x128xi32, #tpu.memory_space<vmem>> -> memref<1x128xi32, #tpu.memory_space<vmem>>
        %dma_start3A_60 = arith.constant 0 : i32
        %dma_start3A_61 = tpu.memref_slice %arg2[%add3A_45, %dma_start3A_60] : memref<5000x128xi32, #tpu.memory_space<hbm>> -> memref<1x128xi32, #tpu.memory_space<hbm>>
        tpu.enqueue_dma source(%dma_start3A_61 : memref<1x128xi32, #tpu.memory_space<hbm>>) target(%dma_start3A_59 : memref<1x128xi32, #tpu.memory_space<vmem>>) target_semaphore(%run_scoped3A_52 : memref<!tpu.dma_semaphore, #tpu.memory_space<semaphore_mem>>)
        %dma_wait3A = arith.constant 0 : i32
        %dma_wait3A_62 = arith.constant 0 : i32
        %dma_wait3A_63 = tpu.memref_slice %arg5[%dma_wait3A, %dma_wait3A_62] : memref<13x128xi32, #tpu.memory_space<vmem>> -> memref<1x128xi32, #tpu.memory_space<vmem>>
        %dma_wait3A_64 = arith.constant 0 : i32
        %dma_wait3A_65 = tpu.memref_slice %arg2[%add3A_45, %dma_wait3A_64] : memref<5000x128xi32, #tpu.memory_space<hbm>> -> memref<1x128xi32, #tpu.memory_space<hbm>>
        %dma_wait3A_66 = arith.constant 0 : i32
        %dma_wait3A_67 = arith.constant 0 : i32
        %dma_wait3A_68 = tpu.memref_slice %arg5[%dma_wait3A_66, %dma_wait3A_67] : memref<13x128xi32, #tpu.memory_space<vmem>> -> memref<1x128xi32, #tpu.memory_space<vmem>>
        %dma_wait3A_69 = arith.constant 0 : i32
        %dma_wait3A_70 = tpu.memref_slice %arg2[%add3A_45, %dma_wait3A_69] : memref<5000x128xi32, #tpu.memory_space<hbm>> -> memref<1x128xi32, #tpu.memory_space<hbm>>
        tpu.wait_dma2 semaphore(%run_scoped3A_52 : memref<!tpu.dma_semaphore, #tpu.memory_space<semaphore_mem>>) src(%dma_wait3A_70 : memref<1x128xi32, #tpu.memory_space<hbm>>) dst(%dma_wait3A_68 : memref<1x128xi32, #tpu.memory_space<vmem>>)
        tpu.yield
      }) : () -> ()
      %add3A_46 = arith.constant 2500 : i32
      %add3A_47 = arith.addi %add3A_46, %add3A_45 : i32
      "tpu.region"() ({
        %run_scoped3A_52 = tpu.sem_alloc : memref<!tpu.dma_semaphore, #tpu.memory_space<semaphore_mem>>
        %dma_start3A = arith.constant 0 : i32
        %dma_start3A_53 = arith.constant 0 : i32
        %dma_start3A_54 = tpu.memref_slice %arg6[%dma_start3A, %dma_start3A_53] : memref<13x128xi32, #tpu.memory_space<vmem>> -> memref<1x128xi32, #tpu.memory_space<vmem>>
        %dma_start3A_55 = arith.constant 0 : i32
        %dma_start3A_56 = tpu.memref_slice %arg2[%add3A_47, %dma_start3A_55] : memref<5000x128xi32, #tpu.memory_space<hbm>> -> memref<1x128xi32, #tpu.memory_space<hbm>>
        %dma_start3A_57 = arith.constant 0 : i32
        %dma_start3A_58 = arith.constant 0 : i32
        %dma_start3A_59 = tpu.memref_slice %arg6[%dma_start3A_57, %dma_start3A_58] : memref<13x128xi32, #tpu.memory_space<vmem>> -> memref<1x128xi32, #tpu.memory_space<vmem>>
        %dma_start3A_60 = arith.constant 0 : i32
        %dma_start3A_61 = tpu.memref_slice %arg2[%add3A_47, %dma_start3A_60] : memref<5000x128xi32, #tpu.memory_space<hbm>> -> memref<1x128xi32, #tpu.memory_space<hbm>>
        tpu.enqueue_dma source(%dma_start3A_61 : memref<1x128xi32, #tpu.memory_space<hbm>>) target(%dma_start3A_59 : memref<1x128xi32, #tpu.memory_space<vmem>>) target_semaphore(%run_scoped3A_52 : memref<!tpu.dma_semaphore, #tpu.memory_space<semaphore_mem>>)
        %dma_wait3A = arith.constant 0 : i32
        %dma_wait3A_62 = arith.constant 0 : i32
        %dma_wait3A_63 = tpu.memref_slice %arg6[%dma_wait3A, %dma_wait3A_62] : memref<13x128xi32, #tpu.memory_space<vmem>> -> memref<1x128xi32, #tpu.memory_space<vmem>>
        %dma_wait3A_64 = arith.constant 0 : i32
        %dma_wait3A_65 = tpu.memref_slice %arg2[%add3A_47, %dma_wait3A_64] : memref<5000x128xi32, #tpu.memory_space<hbm>> -> memref<1x128xi32, #tpu.memory_space<hbm>>
        %dma_wait3A_66 = arith.constant 0 : i32
        %dma_wait3A_67 = arith.constant 0 : i32
        %dma_wait3A_68 = tpu.memref_slice %arg6[%dma_wait3A_66, %dma_wait3A_67] : memref<13x128xi32, #tpu.memory_space<vmem>> -> memref<1x128xi32, #tpu.memory_space<vmem>>
        %dma_wait3A_69 = arith.constant 0 : i32
        %dma_wait3A_70 = tpu.memref_slice %arg2[%add3A_47, %dma_wait3A_69] : memref<5000x128xi32, #tpu.memory_space<hbm>> -> memref<1x128xi32, #tpu.memory_space<hbm>>
        tpu.wait_dma2 semaphore(%run_scoped3A_52 : memref<!tpu.dma_semaphore, #tpu.memory_space<semaphore_mem>>) src(%dma_wait3A_70 : memref<1x128xi32, #tpu.memory_space<hbm>>) dst(%dma_wait3A_68 : memref<1x128xi32, #tpu.memory_space<vmem>>)
        tpu.yield
      }) : () -> ()
      %mul3A_48 = arith.constant 128 : i32
      %mul3A_49 = arith.muli %add3A_45, %mul3A_48 : i32
      "tpu.region"() ({
        %run_scoped3A_52 = tpu.sem_alloc : memref<!tpu.dma_semaphore, #tpu.memory_space<semaphore_mem>>
        %dma_start3A = arith.constant 0 : i32
        %dma_start3A_53 = arith.constant 0 : i32
        %dma_start3A_54 = tpu.memref_slice %arg7[%dma_start3A, %dma_start3A_53] : memref<1664x16xf32, #tpu.memory_space<vmem>> -> memref<128x16xf32, #tpu.memory_space<vmem>>
        %dma_start3A_55 = arith.constant 0 : i32
        %dma_start3A_56 = tpu.memref_slice %arg3[%mul3A_49, %dma_start3A_55] : memref<320000x16xf32, #tpu.memory_space<hbm>> -> memref<128x16xf32, #tpu.memory_space<hbm>>
        %dma_start3A_57 = arith.constant 0 : i32
        %dma_start3A_58 = arith.constant 0 : i32
        %dma_start3A_59 = tpu.memref_slice %arg7[%dma_start3A_57, %dma_start3A_58] : memref<1664x16xf32, #tpu.memory_space<vmem>> -> memref<128x16xf32, #tpu.memory_space<vmem>>
        %dma_start3A_60 = arith.constant 0 : i32
        %dma_start3A_61 = tpu.memref_slice %arg3[%mul3A_49, %dma_start3A_60] : memref<320000x16xf32, #tpu.memory_space<hbm>> -> memref<128x16xf32, #tpu.memory_space<hbm>>
        tpu.enqueue_dma source(%dma_start3A_61 : memref<128x16xf32, #tpu.memory_space<hbm>>) target(%dma_start3A_59 : memref<128x16xf32, #tpu.memory_space<vmem>>) target_semaphore(%run_scoped3A_52 : memref<!tpu.dma_semaphore, #tpu.memory_space<semaphore_mem>>)
        %dma_wait3A = arith.constant 0 : i32
        %dma_wait3A_62 = arith.constant 0 : i32
        %dma_wait3A_63 = tpu.memref_slice %arg7[%dma_wait3A, %dma_wait3A_62] : memref<1664x16xf32, #tpu.memory_space<vmem>> -> memref<128x16xf32, #tpu.memory_space<vmem>>
        %dma_wait3A_64 = arith.constant 0 : i32
        %dma_wait3A_65 = tpu.memref_slice %arg3[%mul3A_49, %dma_wait3A_64] : memref<320000x16xf32, #tpu.memory_space<hbm>> -> memref<128x16xf32, #tpu.memory_space<hbm>>
        %dma_wait3A_66 = arith.constant 0 : i32
        %dma_wait3A_67 = arith.constant 0 : i32
        %dma_wait3A_68 = tpu.memref_slice %arg7[%dma_wait3A_66, %dma_wait3A_67] : memref<1664x16xf32, #tpu.memory_space<vmem>> -> memref<128x16xf32, #tpu.memory_space<vmem>>
        %dma_wait3A_69 = arith.constant 0 : i32
        %dma_wait3A_70 = tpu.memref_slice %arg3[%mul3A_49, %dma_wait3A_69] : memref<320000x16xf32, #tpu.memory_space<hbm>> -> memref<128x16xf32, #tpu.memory_space<hbm>>
        tpu.wait_dma2 semaphore(%run_scoped3A_52 : memref<!tpu.dma_semaphore, #tpu.memory_space<semaphore_mem>>) src(%dma_wait3A_70 : memref<128x16xf32, #tpu.memory_space<hbm>>) dst(%dma_wait3A_68 : memref<128x16xf32, #tpu.memory_space<vmem>>)
        tpu.yield
      }) : () -> ()
      %run_scoped3A_50 = arith.constant 0 : i32
      "tpu.region"() ({
        %run_scoped3A_52 = tpu.sem_alloc : memref<!tpu.dma_semaphore, #tpu.memory_space<semaphore_mem>>
        %dma_start3A = arith.constant 0 : i32
        %dma_start3A_53 = arith.constant 0 : i32
        %dma_start3A_54 = tpu.memref_slice %arg7[%dma_start3A, %dma_start3A_53] : memref<1664x16xf32, #tpu.memory_space<vmem>> -> memref<128x16xf32, #tpu.memory_space<vmem>>
        %dma_start3A_55 = arith.constant 0 : i32
        %dma_start3A_56 = tpu.memref_slice %arg5[%run_scoped3A_50, %dma_start3A_55] : memref<13x128xi32, #tpu.memory_space<vmem>> -> memref<1x128xi32, #tpu.memory_space<vmem>>
        %dma_start3A_57 = tpu.memref_squeeze %dma_start3A_56 : memref<1x128xi32, #tpu.memory_space<vmem>> -> memref<128xi32, #tpu.memory_space<vmem>>
        %dma_start3A_58 = arith.constant 0 : i32
        %dma_start3A_59 = arith.constant 0 : i32
        %dma_start3A_60 = tpu.memref_slice %arg9[%dma_start3A_58, %dma_start3A_59] : memref<10240x16xf32, #tpu.memory_space<vmem_shared>> -> memref<10240x16xf32, #tpu.memory_space<vmem_shared>>
        tpu.enqueue_indirect_dma source(%dma_start3A_54 : memref<128x16xf32, #tpu.memory_space<vmem>>) target(%dma_start3A_60 : memref<10240x16xf32, #tpu.memory_space<vmem_shared>>) offsets(%dma_start3A_57 : memref<128xi32, #tpu.memory_space<vmem>>) semaphore(%run_scoped3A_52 : memref<!tpu.dma_semaphore, #tpu.memory_space<semaphore_mem>>) {add = true}
        %dma_wait3A = arith.constant 0 : i32
        %dma_wait3A_61 = arith.constant 0 : i32
        %dma_wait3A_62 = tpu.memref_slice %arg7[%dma_wait3A, %dma_wait3A_61] : memref<1664x16xf32, #tpu.memory_space<vmem>> -> memref<128x16xf32, #tpu.memory_space<vmem>>
        %dma_wait3A_63 = arith.constant 0 : i32
        %dma_wait3A_64 = tpu.memref_slice %arg5[%run_scoped3A_50, %dma_wait3A_63] : memref<13x128xi32, #tpu.memory_space<vmem>> -> memref<1x128xi32, #tpu.memory_space<vmem>>
        %dma_wait3A_65 = tpu.memref_squeeze %dma_wait3A_64 : memref<1x128xi32, #tpu.memory_space<vmem>> -> memref<128xi32, #tpu.memory_space<vmem>>
        %dma_wait3A_66 = arith.constant 0 : i32
        %dma_wait3A_67 = arith.constant 0 : i32
        %dma_wait3A_68 = tpu.memref_slice %arg9[%dma_wait3A_66, %dma_wait3A_67] : memref<10240x16xf32, #tpu.memory_space<vmem_shared>> -> memref<10240x16xf32, #tpu.memory_space<vmem_shared>>
        tpu.wait_indirect_dma semaphore(%run_scoped3A_52 : memref<!tpu.dma_semaphore, #tpu.memory_space<semaphore_mem>>) src(%dma_wait3A_62 : memref<128x16xf32, #tpu.memory_space<vmem>>) dst(%dma_wait3A_68 : memref<10240x16xf32, #tpu.memory_space<vmem_shared>>)
        tpu.yield
      }) : () -> ()
      %run_scoped3A_51 = arith.constant 0 : i32
      "tpu.region"() ({
        %run_scoped3A_52 = tpu.sem_alloc : memref<!tpu.dma_semaphore, #tpu.memory_space<semaphore_mem>>
        %dma_start3A = arith.constant 0 : i32
        %dma_start3A_53 = arith.constant 0 : i32
        %dma_start3A_54 = tpu.memref_slice %arg7[%dma_start3A, %dma_start3A_53] : memref<1664x16xf32, #tpu.memory_space<vmem>> -> memref<128x16xf32, #tpu.memory_space<vmem>>
        %dma_start3A_55 = arith.constant 0 : i32
        %dma_start3A_56 = tpu.memref_slice %arg6[%run_scoped3A_51, %dma_start3A_55] : memref<13x128xi32, #tpu.memory_space<vmem>> -> memref<1x128xi32, #tpu.memory_space<vmem>>
        %dma_start3A_57 = tpu.memref_squeeze %dma_start3A_56 : memref<1x128xi32, #tpu.memory_space<vmem>> -> memref<128xi32, #tpu.memory_space<vmem>>
        %dma_start3A_58 = arith.constant 0 : i32
        %dma_start3A_59 = arith.constant 0 : i32
        %dma_start3A_60 = tpu.memref_slice %arg10[%dma_start3A_58, %dma_start3A_59] : memref<10240x16xf32, #tpu.memory_space<vmem_shared>> -> memref<10240x16xf32, #tpu.memory_space<vmem_shared>>
        tpu.enqueue_indirect_dma source(%dma_start3A_54 : memref<128x16xf32, #tpu.memory_space<vmem>>) target(%dma_start3A_60 : memref<10240x16xf32, #tpu.memory_space<vmem_shared>>) offsets(%dma_start3A_57 : memref<128xi32, #tpu.memory_space<vmem>>) semaphore(%run_scoped3A_52 : memref<!tpu.dma_semaphore, #tpu.memory_space<semaphore_mem>>) {add = true}
        %dma_wait3A = arith.constant 0 : i32
        %dma_wait3A_61 = arith.constant 0 : i32
        %dma_wait3A_62 = tpu.memref_slice %arg7[%dma_wait3A, %dma_wait3A_61] : memref<1664x16xf32, #tpu.memory_space<vmem>> -> memref<128x16xf32, #tpu.memory_space<vmem>>
        %dma_wait3A_63 = arith.constant 0 : i32
        %dma_wait3A_64 = tpu.memref_slice %arg6[%run_scoped3A_51, %dma_wait3A_63] : memref<13x128xi32, #tpu.memory_space<vmem>> -> memref<1x128xi32, #tpu.memory_space<vmem>>
        %dma_wait3A_65 = tpu.memref_squeeze %dma_wait3A_64 : memref<1x128xi32, #tpu.memory_space<vmem>> -> memref<128xi32, #tpu.memory_space<vmem>>
        %dma_wait3A_66 = arith.constant 0 : i32
        %dma_wait3A_67 = arith.constant 0 : i32
        %dma_wait3A_68 = tpu.memref_slice %arg10[%dma_wait3A_66, %dma_wait3A_67] : memref<10240x16xf32, #tpu.memory_space<vmem_shared>> -> memref<10240x16xf32, #tpu.memory_space<vmem_shared>>
        tpu.wait_indirect_dma semaphore(%run_scoped3A_52 : memref<!tpu.dma_semaphore, #tpu.memory_space<semaphore_mem>>) src(%dma_wait3A_62 : memref<128x16xf32, #tpu.memory_space<vmem>>) dst(%dma_wait3A_68 : memref<10240x16xf32, #tpu.memory_space<vmem_shared>>)
        tpu.yield
      }) : () -> ()
    }
    %while3A_37 = arith.constant 1 : i32
    scf.for %while3A_42 = %while3A_35 to %while3A_31 step %while3A_37  : i32 {
      %mul3A_43 = arith.muli %while3A_42, %while3A : i32
      %add3A_44 = arith.addi %while3A_28, %mul3A_43 : i32
      %add3A_45 = arith.addi %add3A_21, %add3A_44 : i32
      "tpu.region"() ({
        %run_scoped3A_52 = tpu.sem_alloc : memref<!tpu.dma_semaphore, #tpu.memory_space<semaphore_mem>>
        %dma_start3A = arith.constant 0 : i32
        %dma_start3A_53 = arith.constant 0 : i32
        %dma_start3A_54 = tpu.memref_slice %arg5[%dma_start3A, %dma_start3A_53] : memref<13x128xi32, #tpu.memory_space<vmem>> -> memref<1x128xi32, #tpu.memory_space<vmem>>
        %dma_start3A_55 = arith.constant 0 : i32
        %dma_start3A_56 = tpu.memref_slice %arg2[%add3A_45, %dma_start3A_55] : memref<5000x128xi32, #tpu.memory_space<hbm>> -> memref<1x128xi32, #tpu.memory_space<hbm>>
        %dma_start3A_57 = arith.constant 0 : i32
        %dma_start3A_58 = arith.constant 0 : i32
        %dma_start3A_59 = tpu.memref_slice %arg5[%dma_start3A_57, %dma_start3A_58] : memref<13x128xi32, #tpu.memory_space<vmem>> -> memref<1x128xi32, #tpu.memory_space<vmem>>
        %dma_start3A_60 = arith.constant 0 : i32
        %dma_start3A_61 = tpu.memref_slice %arg2[%add3A_45, %dma_start3A_60] : memref<5000x128xi32, #tpu.memory_space<hbm>> -> memref<1x128xi32, #tpu.memory_space<hbm>>
        tpu.enqueue_dma source(%dma_start3A_61 : memref<1x128xi32, #tpu.memory_space<hbm>>) target(%dma_start3A_59 : memref<1x128xi32, #tpu.memory_space<vmem>>) target_semaphore(%run_scoped3A_52 : memref<!tpu.dma_semaphore, #tpu.memory_space<semaphore_mem>>)
        %dma_wait3A = arith.constant 0 : i32
        %dma_wait3A_62 = arith.constant 0 : i32
        %dma_wait3A_63 = tpu.memref_slice %arg5[%dma_wait3A, %dma_wait3A_62] : memref<13x128xi32, #tpu.memory_space<vmem>> -> memref<1x128xi32, #tpu.memory_space<vmem>>
        %dma_wait3A_64 = arith.constant 0 : i32
        %dma_wait3A_65 = tpu.memref_slice %arg2[%add3A_45, %dma_wait3A_64] : memref<5000x128xi32, #tpu.memory_space<hbm>> -> memref<1x128xi32, #tpu.memory_space<hbm>>
        %dma_wait3A_66 = arith.constant 0 : i32
        %dma_wait3A_67 = arith.constant 0 : i32
        %dma_wait3A_68 = tpu.memref_slice %arg5[%dma_wait3A_66, %dma_wait3A_67] : memref<13x128xi32, #tpu.memory_space<vmem>> -> memref<1x128xi32, #tpu.memory_space<vmem>>
        %dma_wait3A_69 = arith.constant 0 : i32
        %dma_wait3A_70 = tpu.memref_slice %arg2[%add3A_45, %dma_wait3A_69] : memref<5000x128xi32, #tpu.memory_space<hbm>> -> memref<1x128xi32, #tpu.memory_space<hbm>>
        tpu.wait_dma2 semaphore(%run_scoped3A_52 : memref<!tpu.dma_semaphore, #tpu.memory_space<semaphore_mem>>) src(%dma_wait3A_70 : memref<1x128xi32, #tpu.memory_space<hbm>>) dst(%dma_wait3A_68 : memref<1x128xi32, #tpu.memory_space<vmem>>)
        tpu.yield
      }) : () -> ()
      %add3A_46 = arith.constant 2500 : i32
      %add3A_47 = arith.addi %add3A_46, %add3A_45 : i32
      "tpu.region"() ({
        %run_scoped3A_52 = tpu.sem_alloc : memref<!tpu.dma_semaphore, #tpu.memory_space<semaphore_mem>>
        %dma_start3A = arith.constant 0 : i32
        %dma_start3A_53 = arith.constant 0 : i32
        %dma_start3A_54 = tpu.memref_slice %arg6[%dma_start3A, %dma_start3A_53] : memref<13x128xi32, #tpu.memory_space<vmem>> -> memref<1x128xi32, #tpu.memory_space<vmem>>
        %dma_start3A_55 = arith.constant 0 : i32
        %dma_start3A_56 = tpu.memref_slice %arg2[%add3A_47, %dma_start3A_55] : memref<5000x128xi32, #tpu.memory_space<hbm>> -> memref<1x128xi32, #tpu.memory_space<hbm>>
        %dma_start3A_57 = arith.constant 0 : i32
        %dma_start3A_58 = arith.constant 0 : i32
        %dma_start3A_59 = tpu.memref_slice %arg6[%dma_start3A_57, %dma_start3A_58] : memref<13x128xi32, #tpu.memory_space<vmem>> -> memref<1x128xi32, #tpu.memory_space<vmem>>
        %dma_start3A_60 = arith.constant 0 : i32
        %dma_start3A_61 = tpu.memref_slice %arg2[%add3A_47, %dma_start3A_60] : memref<5000x128xi32, #tpu.memory_space<hbm>> -> memref<1x128xi32, #tpu.memory_space<hbm>>
        tpu.enqueue_dma source(%dma_start3A_61 : memref<1x128xi32, #tpu.memory_space<hbm>>) target(%dma_start3A_59 : memref<1x128xi32, #tpu.memory_space<vmem>>) target_semaphore(%run_scoped3A_52 : memref<!tpu.dma_semaphore, #tpu.memory_space<semaphore_mem>>)
        %dma_wait3A = arith.constant 0 : i32
        %dma_wait3A_62 = arith.constant 0 : i32
        %dma_wait3A_63 = tpu.memref_slice %arg6[%dma_wait3A, %dma_wait3A_62] : memref<13x128xi32, #tpu.memory_space<vmem>> -> memref<1x128xi32, #tpu.memory_space<vmem>>
        %dma_wait3A_64 = arith.constant 0 : i32
        %dma_wait3A_65 = tpu.memref_slice %arg2[%add3A_47, %dma_wait3A_64] : memref<5000x128xi32, #tpu.memory_space<hbm>> -> memref<1x128xi32, #tpu.memory_space<hbm>>
        %dma_wait3A_66 = arith.constant 0 : i32
        %dma_wait3A_67 = arith.constant 0 : i32
        %dma_wait3A_68 = tpu.memref_slice %arg6[%dma_wait3A_66, %dma_wait3A_67] : memref<13x128xi32, #tpu.memory_space<vmem>> -> memref<1x128xi32, #tpu.memory_space<vmem>>
        %dma_wait3A_69 = arith.constant 0 : i32
        %dma_wait3A_70 = tpu.memref_slice %arg2[%add3A_47, %dma_wait3A_69] : memref<5000x128xi32, #tpu.memory_space<hbm>> -> memref<1x128xi32, #tpu.memory_space<hbm>>
        tpu.wait_dma2 semaphore(%run_scoped3A_52 : memref<!tpu.dma_semaphore, #tpu.memory_space<semaphore_mem>>) src(%dma_wait3A_70 : memref<1x128xi32, #tpu.memory_space<hbm>>) dst(%dma_wait3A_68 : memref<1x128xi32, #tpu.memory_space<vmem>>)
        tpu.yield
      }) : () -> ()
      %mul3A_48 = arith.constant 128 : i32
      %mul3A_49 = arith.muli %add3A_45, %mul3A_48 : i32
      "tpu.region"() ({
        %run_scoped3A_52 = tpu.sem_alloc : memref<!tpu.dma_semaphore, #tpu.memory_space<semaphore_mem>>
        %dma_start3A = arith.constant 0 : i32
        %dma_start3A_53 = arith.constant 0 : i32
        %dma_start3A_54 = tpu.memref_slice %arg7[%dma_start3A, %dma_start3A_53] : memref<1664x16xf32, #tpu.memory_space<vmem>> -> memref<128x16xf32, #tpu.memory_space<vmem>>
        %dma_start3A_55 = arith.constant 0 : i32
        %dma_start3A_56 = tpu.memref_slice %arg3[%mul3A_49, %dma_start3A_55] : memref<320000x16xf32, #tpu.memory_space<hbm>> -> memref<128x16xf32, #tpu.memory_space<hbm>>
        %dma_start3A_57 = arith.constant 0 : i32
        %dma_start3A_58 = arith.constant 0 : i32
        %dma_start3A_59 = tpu.memref_slice %arg7[%dma_start3A_57, %dma_start3A_58] : memref<1664x16xf32, #tpu.memory_space<vmem>> -> memref<128x16xf32, #tpu.memory_space<vmem>>
        %dma_start3A_60 = arith.constant 0 : i32
        %dma_start3A_61 = tpu.memref_slice %arg3[%mul3A_49, %dma_start3A_60] : memref<320000x16xf32, #tpu.memory_space<hbm>> -> memref<128x16xf32, #tpu.memory_space<hbm>>
        tpu.enqueue_dma source(%dma_start3A_61 : memref<128x16xf32, #tpu.memory_space<hbm>>) target(%dma_start3A_59 : memref<128x16xf32, #tpu.memory_space<vmem>>) target_semaphore(%run_scoped3A_52 : memref<!tpu.dma_semaphore, #tpu.memory_space<semaphore_mem>>)
        %dma_wait3A = arith.constant 0 : i32
        %dma_wait3A_62 = arith.constant 0 : i32
        %dma_wait3A_63 = tpu.memref_slice %arg7[%dma_wait3A, %dma_wait3A_62] : memref<1664x16xf32, #tpu.memory_space<vmem>> -> memref<128x16xf32, #tpu.memory_space<vmem>>
        %dma_wait3A_64 = arith.constant 0 : i32
        %dma_wait3A_65 = tpu.memref_slice %arg3[%mul3A_49, %dma_wait3A_64] : memref<320000x16xf32, #tpu.memory_space<hbm>> -> memref<128x16xf32, #tpu.memory_space<hbm>>
        %dma_wait3A_66 = arith.constant 0 : i32
        %dma_wait3A_67 = arith.constant 0 : i32
        %dma_wait3A_68 = tpu.memref_slice %arg7[%dma_wait3A_66, %dma_wait3A_67] : memref<1664x16xf32, #tpu.memory_space<vmem>> -> memref<128x16xf32, #tpu.memory_space<vmem>>
        %dma_wait3A_69 = arith.constant 0 : i32
        %dma_wait3A_70 = tpu.memref_slice %arg3[%mul3A_49, %dma_wait3A_69] : memref<320000x16xf32, #tpu.memory_space<hbm>> -> memref<128x16xf32, #tpu.memory_space<hbm>>
        tpu.wait_dma2 semaphore(%run_scoped3A_52 : memref<!tpu.dma_semaphore, #tpu.memory_space<semaphore_mem>>) src(%dma_wait3A_70 : memref<128x16xf32, #tpu.memory_space<hbm>>) dst(%dma_wait3A_68 : memref<128x16xf32, #tpu.memory_space<vmem>>)
        tpu.yield
      }) : () -> ()
      %run_scoped3A_50 = arith.constant 0 : i32
      "tpu.region"() ({
        %run_scoped3A_52 = tpu.sem_alloc : memref<!tpu.dma_semaphore, #tpu.memory_space<semaphore_mem>>
        %dma_start3A = arith.constant 0 : i32
        %dma_start3A_53 = arith.constant 0 : i32
        %dma_start3A_54 = tpu.memref_slice %arg7[%dma_start3A, %dma_start3A_53] : memref<1664x16xf32, #tpu.memory_space<vmem>> -> memref<128x16xf32, #tpu.memory_space<vmem>>
        %dma_start3A_55 = arith.constant 0 : i32
        %dma_start3A_56 = tpu.memref_slice %arg5[%run_scoped3A_50, %dma_start3A_55] : memref<13x128xi32, #tpu.memory_space<vmem>> -> memref<1x128xi32, #tpu.memory_space<vmem>>
        %dma_start3A_57 = tpu.memref_squeeze %dma_start3A_56 : memref<1x128xi32, #tpu.memory_space<vmem>> -> memref<128xi32, #tpu.memory_space<vmem>>
        %dma_start3A_58 = arith.constant 0 : i32
        %dma_start3A_59 = arith.constant 0 : i32
        %dma_start3A_60 = tpu.memref_slice %arg9[%dma_start3A_58, %dma_start3A_59] : memref<10240x16xf32, #tpu.memory_space<vmem_shared>> -> memref<10240x16xf32, #tpu.memory_space<vmem_shared>>
        tpu.enqueue_indirect_dma source(%dma_start3A_54 : memref<128x16xf32, #tpu.memory_space<vmem>>) target(%dma_start3A_60 : memref<10240x16xf32, #tpu.memory_space<vmem_shared>>) offsets(%dma_start3A_57 : memref<128xi32, #tpu.memory_space<vmem>>) semaphore(%run_scoped3A_52 : memref<!tpu.dma_semaphore, #tpu.memory_space<semaphore_mem>>) {add = true}
        %dma_wait3A = arith.constant 0 : i32
        %dma_wait3A_61 = arith.constant 0 : i32
        %dma_wait3A_62 = tpu.memref_slice %arg7[%dma_wait3A, %dma_wait3A_61] : memref<1664x16xf32, #tpu.memory_space<vmem>> -> memref<128x16xf32, #tpu.memory_space<vmem>>
        %dma_wait3A_63 = arith.constant 0 : i32
        %dma_wait3A_64 = tpu.memref_slice %arg5[%run_scoped3A_50, %dma_wait3A_63] : memref<13x128xi32, #tpu.memory_space<vmem>> -> memref<1x128xi32, #tpu.memory_space<vmem>>
        %dma_wait3A_65 = tpu.memref_squeeze %dma_wait3A_64 : memref<1x128xi32, #tpu.memory_space<vmem>> -> memref<128xi32, #tpu.memory_space<vmem>>
        %dma_wait3A_66 = arith.constant 0 : i32
        %dma_wait3A_67 = arith.constant 0 : i32
        %dma_wait3A_68 = tpu.memref_slice %arg9[%dma_wait3A_66, %dma_wait3A_67] : memref<10240x16xf32, #tpu.memory_space<vmem_shared>> -> memref<10240x16xf32, #tpu.memory_space<vmem_shared>>
        tpu.wait_indirect_dma semaphore(%run_scoped3A_52 : memref<!tpu.dma_semaphore, #tpu.memory_space<semaphore_mem>>) src(%dma_wait3A_62 : memref<128x16xf32, #tpu.memory_space<vmem>>) dst(%dma_wait3A_68 : memref<10240x16xf32, #tpu.memory_space<vmem_shared>>)
        tpu.yield
      }) : () -> ()
      %run_scoped3A_51 = arith.constant 0 : i32
      "tpu.region"() ({
        %run_scoped3A_52 = tpu.sem_alloc : memref<!tpu.dma_semaphore, #tpu.memory_space<semaphore_mem>>
        %dma_start3A = arith.constant 0 : i32
        %dma_start3A_53 = arith.constant 0 : i32
        %dma_start3A_54 = tpu.memref_slice %arg7[%dma_start3A, %dma_start3A_53] : memref<1664x16xf32, #tpu.memory_space<vmem>> -> memref<128x16xf32, #tpu.memory_space<vmem>>
        %dma_start3A_55 = arith.constant 0 : i32
        %dma_start3A_56 = tpu.memref_slice %arg6[%run_scoped3A_51, %dma_start3A_55] : memref<13x128xi32, #tpu.memory_space<vmem>> -> memref<1x128xi32, #tpu.memory_space<vmem>>
        %dma_start3A_57 = tpu.memref_squeeze %dma_start3A_56 : memref<1x128xi32, #tpu.memory_space<vmem>> -> memref<128xi32, #tpu.memory_space<vmem>>
        %dma_start3A_58 = arith.constant 0 : i32
        %dma_start3A_59 = arith.constant 0 : i32
        %dma_start3A_60 = tpu.memref_slice %arg10[%dma_start3A_58, %dma_start3A_59] : memref<10240x16xf32, #tpu.memory_space<vmem_shared>> -> memref<10240x16xf32, #tpu.memory_space<vmem_shared>>
        tpu.enqueue_indirect_dma source(%dma_start3A_54 : memref<128x16xf32, #tpu.memory_space<vmem>>) target(%dma_start3A_60 : memref<10240x16xf32, #tpu.memory_space<vmem_shared>>) offsets(%dma_start3A_57 : memref<128xi32, #tpu.memory_space<vmem>>) semaphore(%run_scoped3A_52 : memref<!tpu.dma_semaphore, #tpu.memory_space<semaphore_mem>>) {add = true}
        %dma_wait3A = arith.constant 0 : i32
        %dma_wait3A_61 = arith.constant 0 : i32
        %dma_wait3A_62 = tpu.memref_slice %arg7[%dma_wait3A, %dma_wait3A_61] : memref<1664x16xf32, #tpu.memory_space<vmem>> -> memref<128x16xf32, #tpu.memory_space<vmem>>
        %dma_wait3A_63 = arith.constant 0 : i32
        %dma_wait3A_64 = tpu.memref_slice %arg6[%run_scoped3A_51, %dma_wait3A_63] : memref<13x128xi32, #tpu.memory_space<vmem>> -> memref<1x128xi32, #tpu.memory_space<vmem>>
        %dma_wait3A_65 = tpu.memref_squeeze %dma_wait3A_64 : memref<1x128xi32, #tpu.memory_space<vmem>> -> memref<128xi32, #tpu.memory_space<vmem>>
        %dma_wait3A_66 = arith.constant 0 : i32
        %dma_wait3A_67 = arith.constant 0 : i32
        %dma_wait3A_68 = tpu.memref_slice %arg10[%dma_wait3A_66, %dma_wait3A_67] : memref<10240x16xf32, #tpu.memory_space<vmem_shared>> -> memref<10240x16xf32, #tpu.memory_space<vmem_shared>>
        tpu.wait_indirect_dma semaphore(%run_scoped3A_52 : memref<!tpu.dma_semaphore, #tpu.memory_space<semaphore_mem>>) src(%dma_wait3A_62 : memref<128x16xf32, #tpu.memory_space<vmem>>) dst(%dma_wait3A_68 : memref<10240x16xf32, #tpu.memory_space<vmem_shared>>)
        tpu.yield
      }) : () -> ()
    }
    %barrier3A_38 = arith.constant 0 : index
    tpu.barrier barrier_id(%barrier3A_38)
    %mul3A_39 = arith.constant 640 : i32
    %mul3A_40 = arith.muli %arg1, %mul3A_39 : i32
    %run_scoped3A = arith.constant 0 : i32
    "tpu.region"() ({
      %run_scoped3A_42 = tpu.sem_alloc : memref<!tpu.dma_semaphore, #tpu.memory_space<semaphore_mem>>
      %dma_start3A = arith.constant 0 : i32
      %dma_start3A_43 = tpu.memref_slice %arg4[%arg0, %run_scoped3A, %mul3A_40, %dma_start3A] : memref<2x2x10240x16xf32, #tpu.memory_space<hbm>> -> memref<1x1x640x16xf32, #tpu.memory_space<hbm>>
      %dma_start3A_44 = tpu.memref_squeeze %dma_start3A_43 : memref<1x1x640x16xf32, #tpu.memory_space<hbm>> -> memref<640x16xf32, #tpu.memory_space<hbm>>
      %dma_start3A_45 = arith.constant 0 : i32
      %dma_start3A_46 = tpu.memref_slice %arg9[%mul3A_40, %dma_start3A_45] : memref<10240x16xf32, #tpu.memory_space<vmem_shared>> -> memref<640x16xf32, #tpu.memory_space<vmem_shared>>
      tpu.enqueue_dma source(%dma_start3A_46 : memref<640x16xf32, #tpu.memory_space<vmem_shared>>) target(%dma_start3A_44 : memref<640x16xf32, #tpu.memory_space<hbm>>) target_semaphore(%run_scoped3A_42 : memref<!tpu.dma_semaphore, #tpu.memory_space<semaphore_mem>>)
      %dma_wait3A = arith.constant 0 : i32
      %dma_wait3A_47 = tpu.memref_slice %arg4[%arg0, %run_scoped3A, %mul3A_40, %dma_wait3A] : memref<2x2x10240x16xf32, #tpu.memory_space<hbm>> -> memref<1x1x640x16xf32, #tpu.memory_space<hbm>>
      %dma_wait3A_48 = tpu.memref_squeeze %dma_wait3A_47 : memref<1x1x640x16xf32, #tpu.memory_space<hbm>> -> memref<640x16xf32, #tpu.memory_space<hbm>>
      %dma_wait3A_49 = arith.constant 0 : i32
      %dma_wait3A_50 = tpu.memref_slice %arg9[%mul3A_40, %dma_wait3A_49] : memref<10240x16xf32, #tpu.memory_space<vmem_shared>> -> memref<640x16xf32, #tpu.memory_space<vmem_shared>>
      tpu.wait_dma2 semaphore(%run_scoped3A_42 : memref<!tpu.dma_semaphore, #tpu.memory_space<semaphore_mem>>) src(%dma_wait3A_50 : memref<640x16xf32, #tpu.memory_space<vmem_shared>>) dst(%dma_wait3A_48 : memref<640x16xf32, #tpu.memory_space<hbm>>)
      tpu.yield
    }) : () -> ()
    %run_scoped3A_41 = arith.constant 1 : i32
    "tpu.region"() ({
      %run_scoped3A_42 = tpu.sem_alloc : memref<!tpu.dma_semaphore, #tpu.memory_space<semaphore_mem>>
      %dma_start3A = arith.constant 0 : i32
      %dma_start3A_43 = tpu.memref_slice %arg4[%arg0, %run_scoped3A_41, %mul3A_40, %dma_start3A] : memref<2x2x10240x16xf32, #tpu.memory_space<hbm>> -> memref<1x1x640x16xf32, #tpu.memory_space<hbm>>
      %dma_start3A_44 = tpu.memref_squeeze %dma_start3A_43 : memref<1x1x640x16xf32, #tpu.memory_space<hbm>> -> memref<640x16xf32, #tpu.memory_space<hbm>>
      %dma_start3A_45 = arith.constant 0 : i32
      %dma_start3A_46 = tpu.memref_slice %arg10[%mul3A_40, %dma_start3A_45] : memref<10240x16xf32, #tpu.memory_space<vmem_shared>> -> memref<640x16xf32, #tpu.memory_space<vmem_shared>>
      tpu.enqueue_dma source(%dma_start3A_46 : memref<640x16xf32, #tpu.memory_space<vmem_shared>>) target(%dma_start3A_44 : memref<640x16xf32, #tpu.memory_space<hbm>>) target_semaphore(%run_scoped3A_42 : memref<!tpu.dma_semaphore, #tpu.memory_space<semaphore_mem>>)
      %dma_wait3A = arith.constant 0 : i32
      %dma_wait3A_47 = tpu.memref_slice %arg4[%arg0, %run_scoped3A_41, %mul3A_40, %dma_wait3A] : memref<2x2x10240x16xf32, #tpu.memory_space<hbm>> -> memref<1x1x640x16xf32, #tpu.memory_space<hbm>>
      %dma_wait3A_48 = tpu.memref_squeeze %dma_wait3A_47 : memref<1x1x640x16xf32, #tpu.memory_space<hbm>> -> memref<640x16xf32, #tpu.memory_space<hbm>>
      %dma_wait3A_49 = arith.constant 0 : i32
      %dma_wait3A_50 = tpu.memref_slice %arg10[%mul3A_40, %dma_wait3A_49] : memref<10240x16xf32, #tpu.memory_space<vmem_shared>> -> memref<640x16xf32, #tpu.memory_space<vmem_shared>>
      tpu.wait_dma2 semaphore(%run_scoped3A_42 : memref<!tpu.dma_semaphore, #tpu.memory_space<semaphore_mem>>) src(%dma_wait3A_50 : memref<640x16xf32, #tpu.memory_space<vmem_shared>>) dst(%dma_wait3A_48 : memref<640x16xf32, #tpu.memory_space<hbm>>)
      tpu.yield
    }) : () -> ()
    return
  }
}

module attributes {stable_mosaic.version = 14 : i64} {
  func.func @_mlp_a_body(%arg0: i32, %arg1: memref<2000x128xf32, #tpu.memory_space<vmem>>, %arg2: memref<1x16xf32, #tpu.memory_space<vmem>>, %arg3: memref<128x128xf32, #tpu.memory_space<vmem>>, %arg4: memref<16x128xf32, #tpu.memory_space<vmem>>, %arg5: memref<1x128xf32, #tpu.memory_space<vmem>>, %arg6: memref<2000x128xf32, #tpu.memory_space<vmem>>) attributes {dimension_semantics = [#tpu.dimension_semantics<arbitrary>], iteration_bounds = array<i64: 5>, scalar_prefetch = 0 : i64, scratch_operands = 0 : i64, tpu.core_type = #tpu.core_type<tc>, window_params = [{transform_indices = @transform_0, window_bounds = array<i64: 2000, 128>}, {pipeline_mode = #tpu.pipeline_mode<synchronous>, transform_indices = @transform_1, window_bounds = array<i64: 1, 16>}, {pipeline_mode = #tpu.pipeline_mode<synchronous>, transform_indices = @transform_2, window_bounds = array<i64: 128, 128>}, {pipeline_mode = #tpu.pipeline_mode<synchronous>, transform_indices = @transform_3, window_bounds = array<i64: 16, 128>}, {pipeline_mode = #tpu.pipeline_mode<synchronous>, transform_indices = @transform_4, window_bounds = array<i64: 1, 128>}, {transform_indices = @transform_5, window_bounds = array<i64: 2000, 128>}]} {
    %get3A = arith.constant 0 : index
    %get3A_0 = arith.constant 0 : index
    %get3A_1 = vector.load %arg1[%get3A, %get3A_0] : memref<2000x128xf32, #tpu.memory_space<vmem>>, vector<2000x128xf32>
    %get3A_2 = arith.constant 0 : index
    %get3A_3 = arith.constant 0 : index
    %get3A_4 = vector.load %arg3[%get3A_2, %get3A_3] : memref<128x128xf32, #tpu.memory_space<vmem>>, vector<128x128xf32>
    %dot_general3A = arith.constant dense<0.000000e+00> : vector<2000x128xf32>
    %dot_general3A_5 = tpu.matmul %get3A_1, %get3A_4, %dot_general3A {dimension_numbers = #tpu.dot_dimension_numbers<[1], [0], [0], [1], [0, 0, 1, 1], [], []>, transpose_lhs_hint = false} : vector<2000x128xf32>, vector<128x128xf32>, vector<2000x128xf32> -> vector<2000x128xf32>
    %get3A_6 = arith.constant 0 : index
    %get3A_7 = arith.constant 0 : index
    %get3A_8 = vector.load %arg2[%get3A_6, %get3A_7] : memref<1x16xf32, #tpu.memory_space<vmem>>, vector<1x16xf32>
    %get3A_9 = arith.constant 0 : index
    %get3A_10 = arith.constant 0 : index
    %get3A_11 = vector.load %arg4[%get3A_9, %get3A_10] : memref<16x128xf32, #tpu.memory_space<vmem>>, vector<16x128xf32>
    %dot_general3A_12 = arith.constant dense<0.000000e+00> : vector<1x128xf32>
    %dot_general3A_13 = tpu.matmul %get3A_8, %get3A_11, %dot_general3A_12 {dimension_numbers = #tpu.dot_dimension_numbers<[1], [0], [0], [1], [0, 0, 1, 1], [], []>, transpose_lhs_hint = false} : vector<1x16xf32>, vector<16x128xf32>, vector<1x128xf32> -> vector<1x128xf32>
    %get3A_14 = arith.constant 0 : index
    %get3A_15 = arith.constant 0 : index
    %get3A_16 = vector.load %arg5[%get3A_14, %get3A_15] : memref<1x128xf32, #tpu.memory_space<vmem>>, vector<1x128xf32>
    %add3A = arith.addf %dot_general3A_13, %get3A_16 : vector<1x128xf32>
    %add3A_17 = vector.broadcast %add3A : vector<1x128xf32> to vector<2000x128xf32>
    %add3A_18 = arith.addf %dot_general3A_5, %add3A_17 : vector<2000x128xf32>
    %swap3A = arith.constant 0 : index
    %swap3A_19 = arith.constant 0 : index
    %swap3A_20 = vector.load %arg6[%swap3A, %swap3A_19] : memref<2000x128xf32, #tpu.memory_space<vmem>>, vector<2000x128xf32>
    tpu.vector_store %arg6[%swap3A, %swap3A_19], %add3A_18 {strides = array<i32>} : memref<2000x128xf32, #tpu.memory_space<vmem>>, vector<2000x128xf32>,
    return
  }
  func.func @transform_0(%arg0: i32) -> (i32, i32) {
    %c0_i32 = arith.constant 0 : i32
    %c0_i32_0 = arith.constant 0 : i32
    return %arg0, %c0_i32 : i32, i32
  }
  func.func @transform_1(%arg0: i32) -> (i32, i32) {
    %c0_i32 = arith.constant 0 : i32
    %c0_i32_0 = arith.constant 0 : i32
    %c0_i32_1 = arith.constant 0 : i32
    return %c0_i32, %c0_i32_0 : i32, i32
  }
  func.func @transform_2(%arg0: i32) -> (i32, i32) {
    %c0_i32 = arith.constant 0 : i32
    %c0_i32_0 = arith.constant 0 : i32
    %c0_i32_1 = arith.constant 0 : i32
    return %c0_i32, %c0_i32_0 : i32, i32
  }
  func.func @transform_3(%arg0: i32) -> (i32, i32) {
    %c0_i32 = arith.constant 0 : i32
    %c0_i32_0 = arith.constant 0 : i32
    %c0_i32_1 = arith.constant 0 : i32
    return %c0_i32, %c0_i32_0 : i32, i32
  }
  func.func @transform_4(%arg0: i32) -> (i32, i32) {
    %c0_i32 = arith.constant 0 : i32
    %c0_i32_0 = arith.constant 0 : i32
    %c0_i32_1 = arith.constant 0 : i32
    return %c0_i32, %c0_i32_0 : i32, i32
  }
  func.func @transform_5(%arg0: i32) -> (i32, i32) {
    %c0_i32 = arith.constant 0 : i32
    %c0_i32_0 = arith.constant 0 : i32
    return %arg0, %c0_i32 : i32, i32
  }
}

module attributes {stable_mosaic.version = 14 : i64} {
  func.func @_mlp_b_body(%arg0: i32, %arg1: memref<2x2x2000x16xf32, #tpu.memory_space<vmem>>, %arg2: memref<2000x128xf32, #tpu.memory_space<vmem>>, %arg3: memref<32x128xf32, #tpu.memory_space<vmem>>, %arg4: memref<128x128xf32, #tpu.memory_space<vmem>>, %arg5: memref<1x128xf32, #tpu.memory_space<vmem>>, %arg6: memref<2000x128xf32, #tpu.memory_space<vmem>>) attributes {dimension_semantics = [#tpu.dimension_semantics<arbitrary>], iteration_bounds = array<i64: 5>, scalar_prefetch = 0 : i64, scratch_operands = 0 : i64, tpu.core_type = #tpu.core_type<tc>, window_params = [{transform_indices = @transform_0, window_bounds = array<i64: 2, 2, 2000, 16>}, {transform_indices = @transform_1, window_bounds = array<i64: 2000, 128>}, {pipeline_mode = #tpu.pipeline_mode<synchronous>, transform_indices = @transform_2, window_bounds = array<i64: 32, 128>}, {pipeline_mode = #tpu.pipeline_mode<synchronous>, transform_indices = @transform_3, window_bounds = array<i64: 128, 128>}, {pipeline_mode = #tpu.pipeline_mode<synchronous>, transform_indices = @transform_4, window_bounds = array<i64: 1, 128>}, {transform_indices = @transform_5, window_bounds = array<i64: 2000, 128>}]} {
    %get3A = arith.constant 0 : index
    %get3A_0 = arith.constant 0 : index
    %get3A_1 = arith.constant 0 : index
    %get3A_2 = arith.constant 0 : index
    %get3A_3 = vector.load %arg1[%get3A, %get3A_0, %get3A_1, %get3A_2] : memref<2x2x2000x16xf32, #tpu.memory_space<vmem>>, vector<1x1x2000x16xf32>
    %get3A_4 = vector.shape_cast %get3A_3 : vector<1x1x2000x16xf32> to vector<2000x16xf32>
    %get3A_5 = arith.constant 1 : index
    %get3A_6 = arith.constant 0 : index
    %get3A_7 = arith.constant 0 : index
    %get3A_8 = arith.constant 0 : index
    %get3A_9 = vector.load %arg1[%get3A_5, %get3A_6, %get3A_7, %get3A_8] : memref<2x2x2000x16xf32, #tpu.memory_space<vmem>>, vector<1x1x2000x16xf32>
    %get3A_10 = vector.shape_cast %get3A_9 : vector<1x1x2000x16xf32> to vector<2000x16xf32>
    %add3A = arith.addf %get3A_4, %get3A_10 : vector<2000x16xf32>
    %get3A_11 = arith.constant 0 : index
    %get3A_12 = arith.constant 1 : index
    %get3A_13 = arith.constant 0 : index
    %get3A_14 = arith.constant 0 : index
    %get3A_15 = vector.load %arg1[%get3A_11, %get3A_12, %get3A_13, %get3A_14] : memref<2x2x2000x16xf32, #tpu.memory_space<vmem>>, vector<1x1x2000x16xf32>
    %get3A_16 = vector.shape_cast %get3A_15 : vector<1x1x2000x16xf32> to vector<2000x16xf32>
    %get3A_17 = arith.constant 1 : index
    %get3A_18 = arith.constant 1 : index
    %get3A_19 = arith.constant 0 : index
    %get3A_20 = arith.constant 0 : index
    %get3A_21 = vector.load %arg1[%get3A_17, %get3A_18, %get3A_19, %get3A_20] : memref<2x2x2000x16xf32, #tpu.memory_space<vmem>>, vector<1x1x2000x16xf32>
    %get3A_22 = vector.shape_cast %get3A_21 : vector<1x1x2000x16xf32> to vector<2000x16xf32>
    %add3A_23 = arith.addf %get3A_16, %get3A_22 : vector<2000x16xf32>
    %concatenate3A = tpu.concatenate %add3A_23, %add3A in 1 : vector<2000x16xf32>, vector<2000x16xf32> -> vector<2000x32xf32>
    %get3A_24 = arith.constant 0 : index
    %get3A_25 = arith.constant 0 : index
    %get3A_26 = vector.load %arg2[%get3A_24, %get3A_25] : memref<2000x128xf32, #tpu.memory_space<vmem>>, vector<2000x128xf32>
    %get3A_27 = arith.constant 0 : index
    %get3A_28 = arith.constant 0 : index
    %get3A_29 = vector.load %arg3[%get3A_27, %get3A_28] : memref<32x128xf32, #tpu.memory_space<vmem>>, vector<32x128xf32>
    %dot_general3A = arith.constant dense<0.000000e+00> : vector<2000x128xf32>
    %dot_general3A_30 = tpu.matmul %concatenate3A, %get3A_29, %dot_general3A {dimension_numbers = #tpu.dot_dimension_numbers<[1], [0], [0], [1], [0, 0, 1, 1], [], []>, transpose_lhs_hint = false} : vector<2000x32xf32>, vector<32x128xf32>, vector<2000x128xf32> -> vector<2000x128xf32>
    %add3A_31 = arith.addf %get3A_26, %dot_general3A_30 : vector<2000x128xf32>
    %ge3A = arith.constant 0.000000e+00 : f32
    %ge3A_32 = vector.broadcast %ge3A : f32 to vector<2000x128xf32>
    %ge3A_33 = arith.cmpf oge, %add3A_31, %ge3A_32 : vector<2000x128xf32>
    %mul3A = arith.constant 2.000000e-01 : f32
    %mul3A_34 = vector.broadcast %mul3A : f32 to vector<2000x128xf32>
    %mul3A_35 = arith.mulf %mul3A_34, %add3A_31 : vector<2000x128xf32>
    %select_n3A = arith.select %ge3A_33, %add3A_31, %mul3A_35 : vector<2000x128xi1>, vector<2000x128xf32>
    %get3A_36 = arith.constant 0 : index
    %get3A_37 = arith.constant 0 : index
    %get3A_38 = vector.load %arg4[%get3A_36, %get3A_37] : memref<128x128xf32, #tpu.memory_space<vmem>>, vector<128x128xf32>
    %dot_general3A_39 = arith.constant dense<0.000000e+00> : vector<2000x128xf32>
    %dot_general3A_40 = tpu.matmul %select_n3A, %get3A_38, %dot_general3A_39 {dimension_numbers = #tpu.dot_dimension_numbers<[1], [0], [0], [1], [0, 0, 1, 1], [], []>, transpose_lhs_hint = false} : vector<2000x128xf32>, vector<128x128xf32>, vector<2000x128xf32> -> vector<2000x128xf32>
    %get3A_41 = arith.constant 0 : index
    %get3A_42 = arith.constant 0 : index
    %get3A_43 = vector.load %arg5[%get3A_41, %get3A_42] : memref<1x128xf32, #tpu.memory_space<vmem>>, vector<1x128xf32>
    %add3A_44 = vector.broadcast %get3A_43 : vector<1x128xf32> to vector<2000x128xf32>
    %add3A_45 = arith.addf %dot_general3A_40, %add3A_44 : vector<2000x128xf32>
    %swap3A = arith.constant 0 : index
    %swap3A_46 = arith.constant 0 : index
    %swap3A_47 = vector.load %arg6[%swap3A, %swap3A_46] : memref<2000x128xf32, #tpu.memory_space<vmem>>, vector<2000x128xf32>
    tpu.vector_store %arg6[%swap3A, %swap3A_46], %add3A_45 {strides = array<i32>} : memref<2000x128xf32, #tpu.memory_space<vmem>>, vector<2000x128xf32>,
    return
  }
  func.func @transform_0(%arg0: i32) -> (i32, i32, i32, i32) {
    %c0_i32 = arith.constant 0 : i32
    %c0_i32_0 = arith.constant 0 : i32
    %c0_i32_1 = arith.constant 0 : i32
    %c0_i32_2 = arith.constant 0 : i32
    return %c0_i32, %c0_i32_0, %arg0, %c0_i32_1 : i32, i32, i32, i32
  }
  func.func @transform_1(%arg0: i32) -> (i32, i32) {
    %c0_i32 = arith.constant 0 : i32
    %c0_i32_0 = arith.constant 0 : i32
    return %arg0, %c0_i32 : i32, i32
  }
  func.func @transform_2(%arg0: i32) -> (i32, i32) {
    %c0_i32 = arith.constant 0 : i32
    %c0_i32_0 = arith.constant 0 : i32
    %c0_i32_1 = arith.constant 0 : i32
    return %c0_i32, %c0_i32_0 : i32, i32
  }
  func.func @transform_3(%arg0: i32) -> (i32, i32) {
    %c0_i32 = arith.constant 0 : i32
    %c0_i32_0 = arith.constant 0 : i32
    %c0_i32_1 = arith.constant 0 : i32
    return %c0_i32, %c0_i32_0 : i32, i32
  }
  func.func @transform_4(%arg0: i32) -> (i32, i32) {
    %c0_i32 = arith.constant 0 : i32
    %c0_i32_0 = arith.constant 0 : i32
    %c0_i32_1 = arith.constant 0 : i32
    return %c0_i32, %c0_i32_0 : i32, i32
  }
  func.func @transform_5(%arg0: i32) -> (i32, i32) {
    %c0_i32 = arith.constant 0 : i32
    %c0_i32_0 = arith.constant 0 : i32
    return %arg0, %c0_i32 : i32, i32
  }
}

</mosaic_0001>

<sc_bundles>
// kernel: kernel.5.cloned.1.call-start
scs
__scs_entry_jumppad:
0x0: {  	(pc) =	sbr.rel $0x88, $3  }
0x1: {  	(tag) =	ssettag $0x0;
	lr =	simm.s32 $0x1  }
0x2: {  	[smem:$0x3F99] =	sst lr;
	_ =	strace $0xD0000000  }
0x3: {  	_ = 	snop  }
0x4: {  	_ = 	snop  }
0x5: {  	_ = 	snop  }
0x6: {  	_ = 	snop  }
0x7: {  	_ = 	snop  }
__scs_overlays_trampoline_lowered:
0x8: {  	[smem:$0x3FA8] =	sst s0  }
0x9: {  	[smem:$0x3FA9] =	sst s1  }
0xa: {  	[smem:$0x3FAA] =	sst s2  }
0xb: {  	[smem:$0x3FAB] =	sst s3  }
0xc: {  	[smem:$0x3FAC] =	sst s4  }
0xd: {  	[smem:$0x3FAD] =	sst s5  }
0xe: {  	[smem:$0x3FAE] =	sst s6  }
0xf: {  	[smem:$0x3FAF] =	sst s7  }
0x10: {  	[smem:$0x3FB0] =	sst s8  }
0x11: {  	[smem:$0x3FB1] =	sst s9;
	s0 =	simm.s32 @!p0 $0x0  }
0x12: {  	s1 =	sld [smem:$0x3F97];
	s0 =	simm.s32 @p0 $0x1  }
0x13: {  	[smem:$0x3FB2] =	sst s0;
	s0 =	simm.s32 @!p1 $0x0  }
0x14: {  	s2 =	sld [smem:$0x3F96];
	s0 =	simm.s32 @p1 $0x1  }
0x15: {  	[smem:$0x3FB3] =	sst s0;
	s0 =	simm.s32 @!p2 $0x0  }
0x16: {  	s3 =	sld [smem:$0x3FDB];
	s0 =	simm.s32 @p2 $0x1  }
0x17: {  	s4 =	simm.s32 $0x1BF5;
	[smem:$0x3FB5] =	sst s0  }
0x18: {  	s0 =	sld [smem:$0x3F98];
	_ =	swait.ge [sflag:s4], $0x0  }
0x19: {  	s7 =	sld [smem:$0x3F99]  }
0x1a: {  	s8 =	sadd.s32 $0xFFFFE003, lr  }
0x1b: {  	s9 =	sadd.s32 $0xFFFFFEF7, lr;
	s5 =	simm.s32 $0xFFFFFFFF;
	p2 =	slt.u32 s8, $0xFFFFF086  }
0x1c: {  	p1 =	slt.u32 s9, $0xF7A;
	s5 =	simm.s32 @!p2 $0x0  }
0x1d: {  	s5 =	simm.s32 @p1 $0x1;
	p0 =	seq.s32 s7, s2  }
0x1e: {  	s7 =	smul.u32 @!p0 $0xF7A, s2;
	p2 =	seq.s32 @!p0 s5, $0x0  }
0x1f: {  	s9 =	smul.u32 $0xF7A, s1;
	s8 =	simm.s32 @!p0 $0x1BF5;
	p2 =	por !p2, p0  }
0x20: {  	[sflag:s8] =	ssyncset.s32 @!p0 $0xFFFFF086;
	s6 =	sadd.s32 @!p0 s3, s7;
	s7 =	simm.s32 @!p0 $0x108  }
0x21: {  	s3 =	sadd.s32 s3, s9;
	s6 =	sadd.s32 @!p0 $0x88, s6;
	s7 =	simm.s32 @p2 $0x1082  }
0x22: {  	[simem:s7], [sflag:s8] =	dma.local @!p0 [hbm:s6], $0xF7A  }
0x23: {  	s9 =	sor.u32 $0xD0000000, s2;
	s6 =	simm.s32 $0x108;
	_ =	swait.ge @!p0 [sflag:s8], $0x0  }
0x24: {  	s3 =	sadd.s32 $0x88, s3;
	s6 =	simm.s32 @!p1 $0x1082;
	[sflag:s4] =	ssyncset.s32 $0xFFFFF086  }
0x25: {  	[simem:s6], [sflag:s4] =	dma.local [hbm:s3], $0xF7A  }
0x26: {  	[smem:$0x3F99] =	sst s1;
	(tag) =	ssettag s2;
	_ =	strace s9  }
0x27: {  	s1 =	sld [smem:$0x3FA9]  }
0x28: {  	s2 =	sld [smem:$0x3FAA]  }
0x29: {  	s4 =	sld [smem:$0x3FAC]  }
0x2a: {  	p0 =	seq.s32 s5, $0x0;
	s5 =	sld [smem:$0x3FAD]  }
0x2b: {  	s6 =	sld [smem:$0x3FAE]  }
0x2c: {  	s7 =	sld [smem:$0x3FAF]  }
0x2d: {  	s3 =	simm.s32 $0x108;
	s8 =	sld [smem:$0x3FB0]  }
0x2e: {  	s3 =	simm.s32 @!p0 $0x1082;
	s9 =	sld [smem:$0x3FB1]  }
0x2f: {  	lr =	sadd.s32 s0, s3;
	s0 =	sld [smem:$0x3FA8]  }
0x30: {  	s3 =	sld [smem:$0x3FAB]  }
0x31: {  	[smem:$0x3FB4] =	sst s10  }
0x32: {  	s10 =	sld [smem:$0x3FB2];
	_ =	sdelay $0x3  }
0x33: {  	p0 =	seq.s32 s10, $0x1;
	s10 =	sld [smem:$0x3FB4];
	_ =	sdelay $0x3  }
0x34: {  	[smem:$0x3FB4] =	sst s10  }
0x35: {  	s10 =	sld [smem:$0x3FB3];
	_ =	sdelay $0x3  }
0x36: {  	p1 =	seq.s32 s10, $0x1;
	s10 =	sld [smem:$0x3FB4];
	_ =	sdelay $0x3  }
0x37: {  	[smem:$0x3FB4] =	sst s10  }
0x38: {  	s10 =	sld [smem:$0x3FB5]  }
0x39: {  	_ = 	snop;
	(pc) =	sbr.ind lr, $3  }
0x3a: {  	_ = 	snop  }
0x3b: {  	_ = 	snop  }
0x3c: {  	p2 =	seq.s32 s10, $0x1;
	s10 =	sld [smem:$0x3FB4]  }
0x3d: {  	_ =	shalt  }
0x3e: {  	_ =	shalt  }
0x3f: {  	_ =	shalt  }
0x40: {  	_ =	shalt  }
0x41: {  	_ =	shalt  }
0x42: {  	_ =	shalt  }
0x43: {  	_ =	shalt  }
0x44: {  	_ =	shalt  }
0x45: {  	_ =	shalt  }
0x46: {  	_ =	shalt  }
0x47: {  	_ =	shalt  }
0x48: {  	_ =	shalt  }
0x49: {  	_ =	shalt  }
0x4a: {  	_ =	shalt  }
0x4b: {  	_ =	shalt  }
0x4c: {  	_ =	shalt  }
0x4d: {  	_ =	shalt  }
0x4e: {  	_ =	shalt  }
0x4f: {  	_ =	shalt  }
0x50: {  	_ =	shalt  }
0x51: {  	_ =	shalt  }
0x52: {  	_ =	shalt  }
0x53: {  	_ =	shalt  }
0x54: {  	_ =	shalt  }
0x55: {  	_ =	shalt  }
0x56: {  	_ =	shalt  }
0x57: {  	_ =	shalt  }
0x58: {  	_ =	shalt  }
0x59: {  	_ =	shalt  }
0x5a: {  	_ =	shalt  }
0x5b: {  	_ =	shalt  }
0x5c: {  	_ =	shalt  }
0x5d: {  	_ =	shalt  }
0x5e: {  	_ =	shalt  }
0x5f: {  	_ =	shalt  }
0x60: {  	_ =	shalt  }
0x61: {  	_ =	shalt  }
0x62: {  	_ =	shalt  }
0x63: {  	_ =	shalt  }
0x64: {  	_ =	shalt  }
0x65: {  	_ =	shalt  }
0x66: {  	_ =	shalt  }
0x67: {  	_ =	shalt  }
0x68: {  	_ =	shalt  }
0x69: {  	_ =	shalt  }
0x6a: {  	_ =	shalt  }
0x6b: {  	_ =	shalt  }
0x6c: {  	_ =	shalt  }
0x6d: {  	_ =	shalt  }
0x6e: {  	_ =	shalt  }
0x6f: {  	_ =	shalt  }
0x70: {  	_ =	shalt  }
0x71: {  	_ =	shalt  }
0x72: {  	_ =	shalt  }
0x73: {  	_ =	shalt  }
0x74: {  	_ =	shalt  }
0x75: {  	_ =	shalt  }
0x76: {  	_ =	shalt  }
0x77: {  	_ =	shalt  }
0x78: {  	_ =	shalt  }
0x79: {  	_ =	shalt  }
0x7a: {  	_ =	shalt  }
0x7b: {  	_ =	shalt  }
0x7c: {  	_ =	shalt  }
0x7d: {  	_ =	shalt  }
0x7e: {  	_ =	shalt  }
0x7f: {  	_ =	shalt  }
0x80: {  	_ =	shalt  }
0x81: {  	_ =	shalt  }
0x82: {  	_ =	shalt  }
0x83: {  	_ =	shalt  }
0x84: {  	_ =	shalt  }
0x85: {  	_ =	shalt  }
0x86: {  	_ =	shalt  }
0x87: {  	_ =	shalt  }
.Lfunc_end0:
.L_simem_size_0:
called_computation_lowered:
.L_overlay_start_0:
0x88: {  	s2 =	sld [smem:$0x3FD9]  }
0x89: {  	s3 =	sld [smem:$0x3FFE];
	_ =	sdelay $0x1  }
0x8a: {  	s1 =	srdreg.scid  }
0x8b: {  	s0 =	sand.u32 $0x1, s1  }
0x8c: {  	s17 =	sshll.u32 s0, $0xA;
	s2 =	sadd.s32 s3, s2  }
0x8d: {  	s2 =	sadd.s32 s2, s17  }
0x8e: {  	[smem:$0x3FC0] =	sst s2  }
0x8f: {  	_ = 	snop  }
0x90: {  	s2 =	sld [smem:$0x3FD0];
	(tm) =	ssettm $0x1  }
0x91: {  	s18 =	sld [smem:$0x3FFB];
	_ =	sdelay $0x3  }
0x92: {  	_ =	strace s18  }
0x93: {  	s3 =	sld [smem:$0x3FFC];
	_ =	sdelay $0x3  }
0x94: {  	_ =	strace s3  }
0x95: {  	s3 =	sld [smem:$0x3FFD];
	_ =	sdelay $0x3  }
0x96: {  	_ =	strace s3  }
0x97: {  	_ =	strace $0x8FFFFFFF  }
0x98: {  	s19 =	sld [smem:$0x3FDB];
	_ =	sdelay $0x1  }
0x99: {  	s4 =	simm.s32 $_scs_section_size  }
0x9a: {  	s5 =	simm.s32 $_size__tile_overlayer_lowered;
	s6 =	simm.s32 $_tile_overlayer_lowered  }
0x9b: {  	s22 =	simm.s32 $0x1BFF;
	s21 =	sshll.u32 s6, $0x1;
	s3 =	sadd.s32 s4, s19  }
0x9c: {  	s7 =	simm.s32 $0x0;
	s20 =	sshll.u32 s5, $0x1;
	s5 =	sadd.s32 s21, s3  }
0x9d: {  	[timem:s7], [sflag:s22] =	dma.local [hbm:s5], s20  }
0x9e: {  	_ =	swait.ge [sflag:s22], s20  }
0x9f: {  	s4 =	ssub.s32 $0x0, s20;
	[sflag:s22] =	ssyncset.done $0x0  }
0xa0: {  	[sflag:s22] =	ssyncadd.s32 s4;
	_ =	sdelay $0x1  }
0xa1: {  	s23 =	simm.s32 $0x1B8B  }
0xa2: {  	_ =	swait.ge [sflag:s23], $0x1  }
0xa3: {  	[sflag:s23] =	ssyncset.done $0x0  }
0xa4: {  	s25 =	simm.s32 $0x1B8E;
	s24 =	sld [smem:$0x3FFE];
	[sflag:s23] =	ssyncadd.s32 $0xFFFFFFFF  }
0xa5: {  	s26 =	simm.s32 $execute0_lowered;
	[smem:$0x3FD2] =	sst s25  }
0xa6: {  	s5 =	sshll.u32 s26, $0x1;
	_ =	strace $0x80000046;
	[dreg:$0x1] =	wrdreg $0xFFFFFFFF  }
0xa7: {  	s28 =	simm.s32 $_size_execute0_lowered;
	s3 =	sadd.s32 s3, s5;
	[dreg:$0x0] =	wrdreg $0x0  }
0xa8: {  	s5 =	sshll.u32 s28, $0x1;
	[dreg:$0x2] =	wrdreg s3  }
0xa9: {  	[dreg:$0x3] =	wrdreg s5  }
0xaa: {  	[dreg:$0x4] =	wrdreg $0xC0  }
0xab: {  	_ =	task [dreg:s7], $0x5FFFF  }
0xac: {  	[dreg:$0x1] =	wrdreg $0xFFFFFFFF  }
0xad: {  	[dreg:$0x0] =	wrdreg $0x60  }
0xae: {  	[dreg:$0x2] =	wrdreg s24  }
0xaf: {  	[dreg:$0x3] =	wrdreg s2  }
0xb0: {  	[dreg:$0x4] =	wrdreg $0x9D000  }
0xb1: {  	[dreg:$0x5] =	wrdreg $0xC5000  }
0xb2: {  	[dreg:$0x6] =	wrdreg $0x9  }
0xb3: {  	_ =	task.clear_ibuf [dreg:s7], $0x7FFFF;
	_ =	strace $0x90000046  }
0xb4: {  	s29 =	simm.s32 $0x9;
	_ =	strace $0x80000048  }
0xb5: {  	_ =	swait.ge [sflag:s29], $0x1  }
0xb6: {  	[sflag:s29] =	ssyncadd.s32 $0xFFFFFFFF  }
0xb7: {  	_ =	strace $0x90000048  }
0xb8: {  	_ =	sfence  }
0xb9: {  	s30 =	sld [smem:$0x0];
	_ =	sdelay $0x2  }
0xba: {  	s31 =	sshll.u32 s1, $0xD;
	s1 =	sshrl.u32 s1, $0x2  }
0xbb: {  	s3 =	sand.u32 $0x4000, s31;
	s1 =	sadd.s32 s1, s30  }
0xbc: {  	s0 =	sor.u32 s3, s0;
	s1 =	sshll.u32 s1, $0x11  }
0xbd: {  	s0 =	sor.u32 s1, s0  }
0xbe: {  	s0 =	sadd.s32 $0x8F2B, s0  }
0xbf: {  	[sflag:s0] =	ssyncadd.remote.s32 $0x1  }
0xc0: {  	_ =	sfence.sel $0xFFFF  }
0xc1: {  	[dreg:$0x0] =	wrdreg $0xFFFFFFFF;
	(pc) =	sbr.abs _section_cstart, $3  }
0xc2: {  	[dreg:$0x1] =	wrdreg $0xFFFFFFFF  }
0xc3: {  	_ =	task.clear_ibuf [dreg:s7], $0x2FFFF;
	_ =	strace $0x9FFFFFFF  }
0xc4: {  	(tm) =	ssettm $0x7FFFFFFF  }
0xc5: {  	_ =	shalt  }
tec
execute0_lowered:
.L_overlay_start_1:
0x0: {  	(tag) =	ssettag $0x1  }
0x1: {  	s3 =	rddreg [dreg:$0x0]  }
0x2: {  	s5 =	rddreg [dreg:$0x1]  }
0x3: {  	s1 =	rddreg [dreg:$0x2]  }
0x4: {  	s2 =	rddreg [dreg:$0x3];
	s0 =	srdreg.scid  }
0x5: {  	s4 =	simm.s32 $0x0;
	s15 =	stileid.u32;
	s23 =	simm.s32 $0x700  }
0x6: {  	s25 =	simm.s32 $0x100;
	s26 =	simm.s32 $0x780;
	s28 =	simm.s32 $0x4D00  }
0x7: {  	s29 =	simm.s32 $0x5500;
	s30 =	simm.s32 $0x5D00;
	s31 =	simm.s32 $0xB80  }
0x8: {  	s6 =	sand.u32 $0x1, s0;
	[smem:$0x7FF] =	sst s4;
	s7 =	sadd.s32 $0x1800, s3  }
0x9: {  	s11 =	smul.u32 $0x2800, s15;
	s13 =	sadd.s32 $0x4E3800, s3;
	s3 =	sadd.s32 $0xB440, s3  }
0xa: {  	s0 =	sshll.u32 s6, $0x4;
	_ =	strace $0x80000047;
	[dreg:$0x7] =	wrdreg s23  }
0xb: {  	s8 =	ssub.s32 $0x2, s6;
	s18 =	smul.u32 $0x4E0, s6;
	[dreg:$0x8] =	wrdreg s25  }
0xc: {  	s6 =	smul.u32 $0x50000, s6;
	[dreg:$0x9] =	wrdreg s26;
	s23 =	simm.s32 $0xA80  }
0xd: {  	s25 =	simm.s32 $0xB00;
	s26 =	simm.s32 $0x500;
	s0 =	sor.u32 s15, s0  }
0xe: {  	s10 =	sshrl.u32 s8, $0x1;
	s17 =	sadd.s32 s11, s1;
	[dreg:$0x15] =	wrdreg s23  }
0xf: {  	s14 =	sadd.s32 s11, s2;
	s15 =	smul.u32 $0x4E, s15;
	[dreg:$0x17] =	wrdreg s25  }
0x10: {  	s23 =	simm.s32 $0x2D00;
	[dreg:$0x18] =	wrdreg s26;
	s25 =	simm.s32 $0x3D00  }
0x11: {  	s26 =	simm.s32 $0x4500;
	s9 =	smul.u32 $0x4E, s0;
	[dreg:$0x19] =	wrdreg s17  }
0x12: {  	s12 =	smin.u32 s0, $0x4;
	s8 =	ssub.s32 s8, s10;
	[dreg:$0x1a] =	wrdreg s14  }
0x13: {  	s6 =	sadd.s32 s11, s6;
	s11 =	simm.s32 $0x200;
	p0 =	sgt.u32 s0, $0x3  }
0x14: {  	s0 =	simm.s32 $0x580;
	s17 =	sor.u32 s18, s12;
	s10 =	sadd.s32 s15, s18  }
0x15: {  	s6 =	sshrl.u32 s6, $0x3;
	[dreg:$0xc] =	wrdreg s11;
	s18 =	simm.s32 $0x300  }
0x16: {  	s11 =	simm.s32 $0xC80;
	s9 =	sadd.s32 s12, s9;
	s15 =	sadd.s32 s15, s17  }
0x17: {  	s10 =	sadd.s32 s12, s10;
	s5 =	sadd.s32 s5, s6;
	[dreg:$0x10] =	wrdreg s18  }
0x18: {  	s12 =	smax.u32 s8, $0x1;
	s17 =	simm.s32 $0x900;
	[dreg:$0x1e] =	wrdreg s5  }
0x19: {  	s18 =	simm.s32 $0x1;
	s20 =	sshll.u32 s15, $0x4;
	[smem:$0x7FC] =	sst s12  }
0x1a: {  	s21 =	sshll.u32 s10, $0x4;
	s5 =	sadd.s32 $0x5000, s5;
	[dreg:$0xf] =	wrdreg s17  }
0x1b: {  	s15 =	sshll.u32 s10, $0x8;
	s22 =	sadd.s32 s21, s7;
	[dreg:$0x1f] =	wrdreg s5  }
0x1c: {  	s9 =	sadd.s32 $0x4E, s9;
	s5 =	sadd.s32 s15, s13;
	[dreg:$0x6] =	wrdreg s22  }
0x1d: {  	s19 =	sshll.u32 s9, $0x4;
	s21 =	simm.s32 $0xA00;
	[smem:$0x7FD] =	sst s5  }
0x1e: {  	s8 =	simm.s32 $0x600;
	s14 =	sadd.s32 s19, s3;
	[dreg:$0x13] =	wrdreg s21  }
0x1f: {  	s6 =	simm.s32 $0x0;
	s3 =	sadd.s32 s20, s3;
	[dreg:$0x1c] =	wrdreg s14  }
0x20: {  	s16 =	sand.u32 $0x1FFFFFF0, s19;
	s19 =	simm.s32 $0x980;
	[dreg:$0x5] =	wrdreg s3  }
0x21: {  	s12 =	simm.s32 $0x3;
	s20 =	simm.s32 $0x380;
	[dreg:$0x11] =	wrdreg s19  }
0x22: {  	s9 =	sshll.u32 s9, $0x8;
	s22 =	simm.s32 $0x400;
	[dreg:$0x12] =	wrdreg s20  }
0x23: {  	s9 =	sand.u32 $0x1FFFFF00, s9;
	s16 =	sadd.s32 s7, s16;
	[dreg:$0x14] =	wrdreg s22  }
0x24: {  	s17 =	simm.s32 $0xD00;
	s24 =	sadd.s32 s13, s9;
	[dreg:$0x1b] =	wrdreg s16  }
0x25: {  	s21 =	simm.s32 $0x1D00;
	s7 =	simm.s32 $0x180;
	[dreg:$0x1d] =	wrdreg s24  }
0x26: {  	s9 =	simm.s32 $0x800;
	s14 =	simm.s32 $0x880;
	[dreg:$0xa] =	wrdreg s7  }
0x27: {  	s19 =	simm.s32 $0x80;
	s20 =	simm.s32 $0x1500;
	[dreg:$0xb] =	wrdreg s9  }
0x28: {  	s22 =	simm.s32 $0x2500;
	s3 =	simm.s32 $0x6500;
	[dreg:$0xd] =	wrdreg s14  }
0x29: {  	s16 =	simm.s32 $0x280;
	s24 =	simm.s32 $0x480;
	s7 =	simm.s32 $0xC00  }
0x2a: {  	s9 =	simm.s32 $0x6D00;
	s14 =	simm.s32 $0x2;
	[dreg:$0xe] =	wrdreg s16  }
0x2b: {  	v0 =	vimm.f32 $0.0e+00;
	s16 =	simm.s32 $0x680;
	[dreg:$0x16] =	wrdreg s24;
	s24 =	simm.s32 $0x3500  }
.LBB2_1:
0x2c: {  	[smem:$0x7FB] =	sst s6;
	s5 =	simm.s32 $0x40;
	s6 =	simm.s32 $0x0  }
.LBB2_2:
0x2d: {  	p1 =	sne.s32 s5, $0x9FC0;
	[tilespmem:s6+$0x7500] =	vst v0;
	s6 =	smov.u32 s5;
	s5 =	sadd.s32 $0x40, s5  }
.Ltmp0:
0x2e: {  	(pc) =	sbr.rel @p1 .LBB2_2-.Ltmp0, $2  }
0x2f: {  	_ =	sdelay $0x2  }
0x30: {  	s6 =	sshra.s32 s6, $0x2  }
0x31: {  	[tilespmem:s6+$0x7500] =	vst v0;
	s5 =	rddreg [dreg:$0x19];
	s15 =	simm.s32 $0x7500  }
0x32: {  	[spmem:s5] =	stream.linear.scatter [tilespmem:s15], [sflag:$0x3], $0x2800, $0x38;
	[tilespmem:$0xED00] =	vst v63  }
0x33: {  	_ =	swait.ge [sflag:s12], $0x2800  }
0x34: {  	[sflag:s12] =	ssyncset.done $0x0  }
0x35: {  	s10 =	rddreg [dreg:$0x1a];
	[sflag:s12] =	ssyncadd.s32 $0xFFFFD800  }
0x36: {  	[spmem:s10] =	stream.linear.scatter [tilespmem:s15], [sflag:$0x3], $0x2800, $0x38;
	[tilespmem:$0xED00] =	vst v63  }
0x37: {  	_ =	swait.ge [sflag:s12], $0x2800  }
0x38: {  	[sflag:s12] =	ssyncset.done $0x0  }
0x39: {  	[sflag:s12] =	ssyncadd.s32 $0xFFFFD800  }
0x3a: {  	[bflag:$0x0] =	sbarrier.arrive $0xFFFF  }
0x3b: {  	s13 =	rddreg [dreg:$0x6]  }
0x3c: {  	s15 =	rddreg [dreg:$0x5];
	s5 =	sadd.s32 $0x0, s13  }
0x3d: {  	[tilespmem:s4], [sflag:$0x1] =	stream.linear.gather [hbm4b:s5+s4], $0x680, $0x38;
	[tilespmem:$0xED00] =	vst v63  }
0x3e: {  	s6 =	sadd.s32 $0x0, s15;
	s13 =	sld [smem:$0x7FD]  }
0x3f: {  	[tilespmem:s16], [sflag:$0x1] =	stream.linear.gather [hbm4b:s6+s4], $0x680, $0x38;
	[tilespmem:$0xED00] =	vst v63  }
0x40: {  	_ = 	snop  }
0x41: {  	[tilespmem:s17], [sflag:$0x1] =	stream.linear.gather [hbm4b:s13+s4], $0x6800, $0x38;
	[tilespmem:$0xED00] =	vst v63  }
0x42: {  	_ =	swait.ge [sflag:s18], $0x680  }
0x43: {  	[sflag:s18] =	ssyncset.done $0x0  }
0x44: {  	[sflag:s18] =	ssyncadd.s32 $0xFFFFF980  }
0x45: {  	_ =	swait.ge [sflag:s18], $0x680  }
0x46: {  	[sflag:s18] =	ssyncset.done $0x0  }
0x47: {  	[sflag:s18] =	ssyncadd.s32 $0xFFFFF980  }
0x48: {  	_ =	swait.ge [sflag:s18], $0x6800  }
0x49: {  	[sflag:s18] =	ssyncset.done $0x0  }
0x4a: {  	[sflag:s18] =	ssyncadd.s32 $0xFFFF9800  }
0x4b: {  	[spmem:s1] =	stream.indirect.scatter.add.f32 [tilespmem:s17], [sflag:$0x2], $0x10, s4, s19, $0xb8;
	[tilespmem:$0xED00] =	vst v63  }
0x4c: {  	_ = 	snop  }
0x4d: {  	[spmem:s2] =	stream.indirect.scatter.add.f32 [tilespmem:s17], [sflag:$0x2], $0x10, s16, s19, $0xb8;
	[tilespmem:$0xED00] =	vst v63  }
0x4e: {  	_ = 	snop  }
0x4f: {  	[spmem:s1] =	stream.indirect.scatter.add.f32 [tilespmem:s20], [sflag:$0x2], $0x10, s19, s19, $0xb8;
	[tilespmem:$0xED00] =	vst v63  }
0x50: {  	s10 =	rddreg [dreg:$0x7]  }
0x51: {  	[spmem:s2] =	stream.indirect.scatter.add.f32 [tilespmem:s20], [sflag:$0x2], $0x10, s10, s19, $0xb8;
	[tilespmem:$0xED00] =	vst v63  }
0x52: {  	s12 =	rddreg [dreg:$0x8]  }
0x53: {  	[spmem:s1] =	stream.indirect.scatter.add.f32 [tilespmem:s21], [sflag:$0x2], $0x10, s12, s19, $0xb8;
	[tilespmem:$0xED00] =	vst v63  }
0x54: {  	s15 =	rddreg [dreg:$0x9]  }
0x55: {  	[spmem:s2] =	stream.indirect.scatter.add.f32 [tilespmem:s21], [sflag:$0x2], $0x10, s15, s19, $0xb8;
	[tilespmem:$0xED00] =	vst v63  }
0x56: {  	s10 =	rddreg [dreg:$0xa]  }
0x57: {  	[spmem:s1] =	stream.indirect.scatter.add.f32 [tilespmem:s22], [sflag:$0x2], $0x10, s10, s19, $0xb8;
	[tilespmem:$0xED00] =	vst v63  }
0x58: {  	s12 =	rddreg [dreg:$0xb]  }
0x59: {  	[spmem:s2] =	stream.indirect.scatter.add.f32 [tilespmem:s22], [sflag:$0x2], $0x10, s12, s19, $0xb8;
	[tilespmem:$0xED00] =	vst v63  }
0x5a: {  	s15 =	rddreg [dreg:$0xc]  }
0x5b: {  	[spmem:s1] =	stream.indirect.scatter.add.f32 [tilespmem:s23], [sflag:$0x2], $0x10, s15, s19, $0xb8;
	[tilespmem:$0xED00] =	vst v63  }
0x5c: {  	s10 =	rddreg [dreg:$0xd]  }
0x5d: {  	[spmem:s2] =	stream.indirect.scatter.add.f32 [tilespmem:s23], [sflag:$0x2], $0x10, s10, s19, $0xb8;
	[tilespmem:$0xED00] =	vst v63  }
0x5e: {  	s12 =	rddreg [dreg:$0xe]  }
0x5f: {  	[spmem:s1] =	stream.indirect.scatter.add.f32 [tilespmem:s24], [sflag:$0x2], $0x10, s12, s19, $0xb8;
	[tilespmem:$0xED00] =	vst v63  }
0x60: {  	s15 =	rddreg [dreg:$0xf]  }
0x61: {  	[spmem:s2] =	stream.indirect.scatter.add.f32 [tilespmem:s24], [sflag:$0x2], $0x10, s15, s19, $0xb8;
	[tilespmem:$0xED00] =	vst v63  }
0x62: {  	s10 =	rddreg [dreg:$0x10]  }
0x63: {  	[spmem:s1] =	stream.indirect.scatter.add.f32 [tilespmem:s25], [sflag:$0x2], $0x10, s10, s19, $0xb8;
	[tilespmem:$0xED00] =	vst v63  }
0x64: {  	s12 =	rddreg [dreg:$0x11]  }
0x65: {  	[spmem:s2] =	stream.indirect.scatter.add.f32 [tilespmem:s25], [sflag:$0x2], $0x10, s12, s19, $0xb8;
	[tilespmem:$0xED00] =	vst v63  }
0x66: {  	s15 =	rddreg [dreg:$0x12]  }
0x67: {  	[spmem:s1] =	stream.indirect.scatter.add.f32 [tilespmem:s26], [sflag:$0x2], $0x10, s15, s19, $0xb8;
	[tilespmem:$0xED00] =	vst v63  }
0x68: {  	s10 =	rddreg [dreg:$0x13]  }
0x69: {  	[spmem:s2] =	stream.indirect.scatter.add.f32 [tilespmem:s26], [sflag:$0x2], $0x10, s10, s19, $0xb8;
	[tilespmem:$0xED00] =	vst v63  }
0x6a: {  	s12 =	rddreg [dreg:$0x14]  }
0x6b: {  	[spmem:s1] =	stream.indirect.scatter.add.f32 [tilespmem:s28], [sflag:$0x2], $0x10, s12, s19, $0xb8;
	[tilespmem:$0xED00] =	vst v63  }
0x6c: {  	s15 =	rddreg [dreg:$0x15]  }
0x6d: {  	[spmem:s2] =	stream.indirect.scatter.add.f32 [tilespmem:s28], [sflag:$0x2], $0x10, s15, s19, $0xb8;
	[tilespmem:$0xED00] =	vst v63  }
0x6e: {  	s10 =	rddreg [dreg:$0x16]  }
0x6f: {  	[spmem:s1] =	stream.indirect.scatter.add.f32 [tilespmem:s29], [sflag:$0x2], $0x10, s10, s19, $0xb8;
	[tilespmem:$0xED00] =	vst v63  }
0x70: {  	s12 =	rddreg [dreg:$0x17]  }
0x71: {  	[spmem:s2] =	stream.indirect.scatter.add.f32 [tilespmem:s29], [sflag:$0x2], $0x10, s12, s19, $0xb8;
	[tilespmem:$0xED00] =	vst v63  }
0x72: {  	s15 =	rddreg [dreg:$0x18]  }
0x73: {  	[spmem:s1] =	stream.indirect.scatter.add.f32 [tilespmem:s30], [sflag:$0x2], $0x10, s15, s19, $0xb8;
	[tilespmem:$0xED00] =	vst v63  }
0x74: {  	_ = 	snop  }
0x75: {  	[spmem:s2] =	stream.indirect.scatter.add.f32 [tilespmem:s30], [sflag:$0x2], $0x10, s31, s19, $0xb8;
	[tilespmem:$0xED00] =	vst v63  }
0x76: {  	_ = 	snop  }
0x77: {  	[spmem:s1] =	stream.indirect.scatter.add.f32 [tilespmem:s3], [sflag:$0x2], $0x10, s0, s19, $0xb8;
	[tilespmem:$0xED00] =	vst v63  }
0x78: {  	_ = 	snop  }
0x79: {  	[spmem:s2] =	stream.indirect.scatter.add.f32 [tilespmem:s3], [sflag:$0x2], $0x10, s7, s19, $0xb8;
	[tilespmem:$0xED00] =	vst v63  }
0x7a: {  	_ = 	snop  }
0x7b: {  	[spmem:s1] =	stream.indirect.scatter.add.f32 [tilespmem:s9], [sflag:$0x2], $0x10, s8, s19, $0xb8;
	[tilespmem:$0xED00] =	vst v63  }
0x7c: {  	_ = 	snop  }
0x7d: {  	[spmem:s2] =	stream.indirect.scatter.add.f32 [tilespmem:s9], [sflag:$0x2], $0x10, s11, s19, $0xb8;
	[tilespmem:$0xED00] =	vst v63  }
0x7e: {  	_ =	swait.ge [sflag:s14], $0x800  }
0x7f: {  	[sflag:s14] =	ssyncset.done $0x0  }
0x80: {  	[sflag:s14] =	ssyncadd.s32 $0xFFFFF800  }
0x81: {  	_ =	swait.ge [sflag:s14], $0x800  }
0x82: {  	[sflag:s14] =	ssyncset.done $0x0  }
0x83: {  	[sflag:s14] =	ssyncadd.s32 $0xFFFFF800  }
0x84: {  	_ =	swait.ge [sflag:s14], $0x800  }
0x85: {  	[sflag:s14] =	ssyncset.done $0x0  }
0x86: {  	[sflag:s14] =	ssyncadd.s32 $0xFFFFF800  }
0x87: {  	_ =	swait.ge [sflag:s14], $0x800  }
0x88: {  	[sflag:s14] =	ssyncset.done $0x0  }
0x89: {  	[sflag:s14] =	ssyncadd.s32 $0xFFFFF800  }
0x8a: {  	_ =	swait.ge [sflag:s14], $0x800  }
0x8b: {  	[sflag:s14] =	ssyncset.done $0x0  }
0x8c: {  	[sflag:s14] =	ssyncadd.s32 $0xFFFFF800  }
0x8d: {  	_ =	swait.ge [sflag:s14], $0x800  }
0x8e: {  	[sflag:s14] =	ssyncset.done $0x0  }
0x8f: {  	[sflag:s14] =	ssyncadd.s32 $0xFFFFF800  }
0x90: {  	_ =	swait.ge [sflag:s14], $0x800  }
0x91: {  	[sflag:s14] =	ssyncset.done $0x0  }
0x92: {  	[sflag:s14] =	ssyncadd.s32 $0xFFFFF800  }
0x93: {  	_ =	swait.ge [sflag:s14], $0x800  }
0x94: {  	[sflag:s14] =	ssyncset.done $0x0  }
0x95: {  	[sflag:s14] =	ssyncadd.s32 $0xFFFFF800  }
0x96: {  	_ =	swait.ge [sflag:s14], $0x800  }
0x97: {  	[sflag:s14] =	ssyncset.done $0x0  }
0x98: {  	[sflag:s14] =	ssyncadd.s32 $0xFFFFF800  }
0x99: {  	_ =	swait.ge [sflag:s14], $0x800  }
0x9a: {  	[sflag:s14] =	ssyncset.done $0x0  }
0x9b: {  	[sflag:s14] =	ssyncadd.s32 $0xFFFFF800  }
0x9c: {  	_ =	swait.ge [sflag:s14], $0x800  }
0x9d: {  	[sflag:s14] =	ssyncset.done $0x0  }
0x9e: {  	[sflag:s14] =	ssyncadd.s32 $0xFFFFF800  }
0x9f: {  	_ =	swait.ge [sflag:s14], $0x800  }
0xa0: {  	[sflag:s14] =	ssyncset.done $0x0  }
0xa1: {  	[sflag:s14] =	ssyncadd.s32 $0xFFFFF800  }
0xa2: {  	_ =	swait.ge [sflag:s14], $0x800  }
0xa3: {  	[sflag:s14] =	ssyncset.done $0x0  }
0xa4: {  	[sflag:s14] =	ssyncadd.s32 $0xFFFFF800  }
0xa5: {  	_ =	swait.ge [sflag:s14], $0x800  }
0xa6: {  	[sflag:s14] =	ssyncset.done $0x0  }
0xa7: {  	[sflag:s14] =	ssyncadd.s32 $0xFFFFF800  }
0xa8: {  	_ =	swait.ge [sflag:s14], $0x800  }
0xa9: {  	[sflag:s14] =	ssyncset.done $0x0  }
0xaa: {  	[sflag:s14] =	ssyncadd.s32 $0xFFFFF800  }
0xab: {  	_ =	swait.ge [sflag:s14], $0x800  }
0xac: {  	[sflag:s14] =	ssyncset.done $0x0  }
0xad: {  	[sflag:s14] =	ssyncadd.s32 $0xFFFFF800  }
0xae: {  	_ =	swait.ge [sflag:s14], $0x800  }
0xaf: {  	[sflag:s14] =	ssyncset.done $0x0  }
0xb0: {  	[sflag:s14] =	ssyncadd.s32 $0xFFFFF800  }
0xb1: {  	_ =	swait.ge [sflag:s14], $0x800  }
0xb2: {  	[sflag:s14] =	ssyncset.done $0x0  }
0xb3: {  	[sflag:s14] =	ssyncadd.s32 $0xFFFFF800  }
0xb4: {  	_ =	swait.ge [sflag:s14], $0x800  }
0xb5: {  	[sflag:s14] =	ssyncset.done $0x0  }
0xb6: {  	[sflag:s14] =	ssyncadd.s32 $0xFFFFF800  }
0xb7: {  	_ =	swait.ge [sflag:s14], $0x800  }
0xb8: {  	[sflag:s14] =	ssyncset.done $0x0  }
0xb9: {  	[sflag:s14] =	ssyncadd.s32 $0xFFFFF800  }
0xba: {  	_ =	swait.ge [sflag:s14], $0x800  }
0xbb: {  	[sflag:s14] =	ssyncset.done $0x0  }
0xbc: {  	[sflag:s14] =	ssyncadd.s32 $0xFFFFF800  }
0xbd: {  	_ =	swait.ge [sflag:s14], $0x800  }
0xbe: {  	[sflag:s14] =	ssyncset.done $0x0  }
0xbf: {  	[sflag:s14] =	ssyncadd.s32 $0xFFFFF800  }
0xc0: {  	_ =	swait.ge [sflag:s14], $0x800  }
0xc1: {  	[sflag:s14] =	ssyncset.done $0x0  }
0xc2: {  	[sflag:s14] =	ssyncadd.s32 $0xFFFFF800  }
0xc3: {  	_ =	swait.ge [sflag:s14], $0x800  }
0xc4: {  	[sflag:s14] =	ssyncset.done $0x0  }
0xc5: {  	[sflag:s14] =	ssyncadd.s32 $0xFFFFF800  }
0xc6: {  	_ =	swait.ge [sflag:s14], $0x800  }
0xc7: {  	[sflag:s14] =	ssyncset.done $0x0  }
0xc8: {  	[sflag:s14] =	ssyncadd.s32 $0xFFFFF800  }
0xc9: {  	s6 =	simm.s32 $0x1A0;
	_ =	swait.ge [sflag:s14], $0x800  }
0xca: {  	s10 =	simm.s32 $0xD0;
	s5 =	rddreg [dreg:$0x6];
	[sflag:s14] =	ssyncset.done $0x0  }
.LBB2_4:
0xcb: {  	[sflag:s14] =	ssyncadd.s32 $0xFFFFF800;
	s15 =	rddreg [dreg:$0x5];
	s5 =	sadd.s32 s10, s5  }
0xcc: {  	[tilespmem:s4], [sflag:$0x1] =	stream.linear.gather [hbm4b:s5+s4], $0x680, $0x38;
	[tilespmem:$0xED00] =	vst v63  }
0xcd: {  	s15 =	sadd.s32 s10, s15  }
0xce: {  	[tilespmem:s16], [sflag:$0x1] =	stream.linear.gather [hbm4b:s15+s4], $0x680, $0x38;
	[tilespmem:$0xED00] =	vst v63  }
0xcf: {  	s13 =	sadd.s32 $0xD00, s13  }
0xd0: {  	[tilespmem:s17], [sflag:$0x1] =	stream.linear.gather [hbm4b:s13+s4], $0x6800, $0x38;
	[tilespmem:$0xED00] =	vst v63  }
0xd1: {  	_ =	swait.ge [sflag:s18], $0x680  }
0xd2: {  	[sflag:s18] =	ssyncset.done $0x0  }
0xd3: {  	[sflag:s18] =	ssyncadd.s32 $0xFFFFF980  }
0xd4: {  	_ =	swait.ge [sflag:s18], $0x680  }
0xd5: {  	[sflag:s18] =	ssyncset.done $0x0  }
0xd6: {  	[sflag:s18] =	ssyncadd.s32 $0xFFFFF980  }
0xd7: {  	_ =	swait.ge [sflag:s18], $0x6800  }
0xd8: {  	[sflag:s18] =	ssyncset.done $0x0  }
0xd9: {  	[sflag:s18] =	ssyncadd.s32 $0xFFFF9800  }
0xda: {  	[spmem:s1] =	stream.indirect.scatter.add.f32 [tilespmem:s17], [sflag:$0x2], $0x10, s4, s19, $0xb8;
	[tilespmem:$0xED00] =	vst v63  }
0xdb: {  	_ = 	snop  }
0xdc: {  	[spmem:s2] =	stream.indirect.scatter.add.f32 [tilespmem:s17], [sflag:$0x2], $0x10, s16, s19, $0xb8;
	[tilespmem:$0xED00] =	vst v63  }
0xdd: {  	s12 =	smov.u32 s6  }
0xde: {  	[spmem:s1] =	stream.indirect.scatter.add.f32 [tilespmem:s20], [sflag:$0x2], $0x10, s19, s19, $0xb8;
	[tilespmem:$0xED00] =	vst v63  }
0xdf: {  	s10 =	smov.u32 s12;
	s12 =	rddreg [dreg:$0x7]  }
0xe0: {  	[spmem:s2] =	stream.indirect.scatter.add.f32 [tilespmem:s20], [sflag:$0x2], $0x10, s12, s19, $0xb8;
	[tilespmem:$0xED00] =	vst v63  }
0xe1: {  	s15 =	rddreg [dreg:$0x8]  }
0xe2: {  	[spmem:s1] =	stream.indirect.scatter.add.f32 [tilespmem:s21], [sflag:$0x2], $0x10, s15, s19, $0xb8;
	[tilespmem:$0xED00] =	vst v63  }
0xe3: {  	s5 =	rddreg [dreg:$0x9]  }
0xe4: {  	[spmem:s2] =	stream.indirect.scatter.add.f32 [tilespmem:s21], [sflag:$0x2], $0x10, s5, s19, $0xb8;
	[tilespmem:$0xED00] =	vst v63  }
0xe5: {  	s15 =	rddreg [dreg:$0xa]  }
0xe6: {  	[spmem:s1] =	stream.indirect.scatter.add.f32 [tilespmem:s22], [sflag:$0x2], $0x10, s15, s19, $0xb8;
	[tilespmem:$0xED00] =	vst v63  }
0xe7: {  	s5 =	rddreg [dreg:$0xb]  }
0xe8: {  	[spmem:s2] =	stream.indirect.scatter.add.f32 [tilespmem:s22], [sflag:$0x2], $0x10, s5, s19, $0xb8;
	[tilespmem:$0xED00] =	vst v63  }
0xe9: {  	s15 =	rddreg [dreg:$0xc]  }
0xea: {  	[spmem:s1] =	stream.indirect.scatter.add.f32 [tilespmem:s23], [sflag:$0x2], $0x10, s15, s19, $0xb8;
	[tilespmem:$0xED00] =	vst v63  }
0xeb: {  	s5 =	rddreg [dreg:$0xd]  }
0xec: {  	[spmem:s2] =	stream.indirect.scatter.add.f32 [tilespmem:s23], [sflag:$0x2], $0x10, s5, s19, $0xb8;
	[tilespmem:$0xED00] =	vst v63  }
0xed: {  	s15 =	rddreg [dreg:$0xe]  }
0xee: {  	[spmem:s1] =	stream.indirect.scatter.add.f32 [tilespmem:s24], [sflag:$0x2], $0x10, s15, s19, $0xb8;
	[tilespmem:$0xED00] =	vst v63  }
0xef: {  	s5 =	rddreg [dreg:$0xf]  }
0xf0: {  	[spmem:s2] =	stream.indirect.scatter.add.f32 [tilespmem:s24], [sflag:$0x2], $0x10, s5, s19, $0xb8;
	[tilespmem:$0xED00] =	vst v63  }
0xf1: {  	s15 =	rddreg [dreg:$0x10]  }
0xf2: {  	[spmem:s1] =	stream.indirect.scatter.add.f32 [tilespmem:s25], [sflag:$0x2], $0x10, s15, s19, $0xb8;
	[tilespmem:$0xED00] =	vst v63  }
0xf3: {  	s5 =	rddreg [dreg:$0x11]  }
0xf4: {  	[spmem:s2] =	stream.indirect.scatter.add.f32 [tilespmem:s25], [sflag:$0x2], $0x10, s5, s19, $0xb8;
	[tilespmem:$0xED00] =	vst v63  }
0xf5: {  	s15 =	rddreg [dreg:$0x12]  }
0xf6: {  	[spmem:s1] =	stream.indirect.scatter.add.f32 [tilespmem:s26], [sflag:$0x2], $0x10, s15, s19, $0xb8;
	[tilespmem:$0xED00] =	vst v63  }
0xf7: {  	s5 =	rddreg [dreg:$0x13]  }
0xf8: {  	[spmem:s2] =	stream.indirect.scatter.add.f32 [tilespmem:s26], [sflag:$0x2], $0x10, s5, s19, $0xb8;
	[tilespmem:$0xED00] =	vst v63  }
0xf9: {  	s15 =	rddreg [dreg:$0x14]  }
0xfa: {  	[spmem:s1] =	stream.indirect.scatter.add.f32 [tilespmem:s28], [sflag:$0x2], $0x10, s15, s19, $0xb8;
	[tilespmem:$0xED00] =	vst v63  }
0xfb: {  	s5 =	rddreg [dreg:$0x15]  }
0xfc: {  	[spmem:s2] =	stream.indirect.scatter.add.f32 [tilespmem:s28], [sflag:$0x2], $0x10, s5, s19, $0xb8;
	[tilespmem:$0xED00] =	vst v63  }
0xfd: {  	s15 =	rddreg [dreg:$0x16]  }
0xfe: {  	[spmem:s1] =	stream.indirect.scatter.add.f32 [tilespmem:s29], [sflag:$0x2], $0x10, s15, s19, $0xb8;
	[tilespmem:$0xED00] =	vst v63  }
0xff: {  	s5 =	rddreg [dreg:$0x17]  }
0x100: {  	[spmem:s2] =	stream.indirect.scatter.add.f32 [tilespmem:s29], [sflag:$0x2], $0x10, s5, s19, $0xb8;
	[tilespmem:$0xED00] =	vst v63  }
0x101: {  	s15 =	rddreg [dreg:$0x18]  }
0x102: {  	[spmem:s1] =	stream.indirect.scatter.add.f32 [tilespmem:s30], [sflag:$0x2], $0x10, s15, s19, $0xb8;
	[tilespmem:$0xED00] =	vst v63  }
0x103: {  	_ = 	snop  }
0x104: {  	[spmem:s2] =	stream.indirect.scatter.add.f32 [tilespmem:s30], [sflag:$0x2], $0x10, s31, s19, $0xb8;
	[tilespmem:$0xED00] =	vst v63  }
0x105: {  	_ = 	snop  }
0x106: {  	[spmem:s1] =	stream.indirect.scatter.add.f32 [tilespmem:s3], [sflag:$0x2], $0x10, s0, s19, $0xb8;
	[tilespmem:$0xED00] =	vst v63  }
0x107: {  	_ = 	snop  }
0x108: {  	[spmem:s2] =	stream.indirect.scatter.add.f32 [tilespmem:s3], [sflag:$0x2], $0x10, s7, s19, $0xb8;
	[tilespmem:$0xED00] =	vst v63  }
0x109: {  	_ = 	snop  }
0x10a: {  	[spmem:s1] =	stream.indirect.scatter.add.f32 [tilespmem:s9], [sflag:$0x2], $0x10, s8, s19, $0xb8;
	[tilespmem:$0xED00] =	vst v63  }
0x10b: {  	_ = 	snop  }
0x10c: {  	[spmem:s2] =	stream.indirect.scatter.add.f32 [tilespmem:s9], [sflag:$0x2], $0x10, s11, s19, $0xb8;
	[tilespmem:$0xED00] =	vst v63  }
0x10d: {  	_ =	swait.ge [sflag:s14], $0x800  }
0x10e: {  	[sflag:s14] =	ssyncset.done $0x0  }
0x10f: {  	[sflag:s14] =	ssyncadd.s32 $0xFFFFF800  }
0x110: {  	_ =	swait.ge [sflag:s14], $0x800  }
0x111: {  	[sflag:s14] =	ssyncset.done $0x0  }
0x112: {  	[sflag:s14] =	ssyncadd.s32 $0xFFFFF800  }
0x113: {  	_ =	swait.ge [sflag:s14], $0x800  }
0x114: {  	[sflag:s14] =	ssyncset.done $0x0  }
0x115: {  	[sflag:s14] =	ssyncadd.s32 $0xFFFFF800  }
0x116: {  	_ =	swait.ge [sflag:s14], $0x800  }
0x117: {  	[sflag:s14] =	ssyncset.done $0x0  }
0x118: {  	[sflag:s14] =	ssyncadd.s32 $0xFFFFF800  }
0x119: {  	_ =	swait.ge [sflag:s14], $0x800  }
0x11a: {  	[sflag:s14] =	ssyncset.done $0x0  }
0x11b: {  	[sflag:s14] =	ssyncadd.s32 $0xFFFFF800  }
0x11c: {  	_ =	swait.ge [sflag:s14], $0x800  }
0x11d: {  	[sflag:s14] =	ssyncset.done $0x0  }
0x11e: {  	[sflag:s14] =	ssyncadd.s32 $0xFFFFF800  }
0x11f: {  	_ =	swait.ge [sflag:s14], $0x800  }
0x120: {  	[sflag:s14] =	ssyncset.done $0x0  }
0x121: {  	[sflag:s14] =	ssyncadd.s32 $0xFFFFF800  }
0x122: {  	_ =	swait.ge [sflag:s14], $0x800  }
0x123: {  	[sflag:s14] =	ssyncset.done $0x0  }
0x124: {  	[sflag:s14] =	ssyncadd.s32 $0xFFFFF800  }
0x125: {  	_ =	swait.ge [sflag:s14], $0x800  }
0x126: {  	[sflag:s14] =	ssyncset.done $0x0  }
0x127: {  	[sflag:s14] =	ssyncadd.s32 $0xFFFFF800  }
0x128: {  	_ =	swait.ge [sflag:s14], $0x800  }
0x129: {  	[sflag:s14] =	ssyncset.done $0x0  }
0x12a: {  	[sflag:s14] =	ssyncadd.s32 $0xFFFFF800  }
0x12b: {  	_ =	swait.ge [sflag:s14], $0x800  }
0x12c: {  	[sflag:s14] =	ssyncset.done $0x0  }
0x12d: {  	[sflag:s14] =	ssyncadd.s32 $0xFFFFF800  }
0x12e: {  	_ =	swait.ge [sflag:s14], $0x800  }
0x12f: {  	[sflag:s14] =	ssyncset.done $0x0  }
0x130: {  	[sflag:s14] =	ssyncadd.s32 $0xFFFFF800  }
0x131: {  	_ =	swait.ge [sflag:s14], $0x800  }
0x132: {  	[sflag:s14] =	ssyncset.done $0x0  }
0x133: {  	[sflag:s14] =	ssyncadd.s32 $0xFFFFF800  }
0x134: {  	_ =	swait.ge [sflag:s14], $0x800  }
0x135: {  	[sflag:s14] =	ssyncset.done $0x0  }
0x136: {  	[sflag:s14] =	ssyncadd.s32 $0xFFFFF800  }
0x137: {  	_ =	swait.ge [sflag:s14], $0x800  }
0x138: {  	[sflag:s14] =	ssyncset.done $0x0  }
0x139: {  	[sflag:s14] =	ssyncadd.s32 $0xFFFFF800  }
0x13a: {  	_ =	swait.ge [sflag:s14], $0x800  }
0x13b: {  	[sflag:s14] =	ssyncset.done $0x0  }
0x13c: {  	[sflag:s14] =	ssyncadd.s32 $0xFFFFF800  }
0x13d: {  	_ =	swait.ge [sflag:s14], $0x800  }
0x13e: {  	[sflag:s14] =	ssyncset.done $0x0  }
0x13f: {  	[sflag:s14] =	ssyncadd.s32 $0xFFFFF800  }
0x140: {  	_ =	swait.ge [sflag:s14], $0x800  }
0x141: {  	[sflag:s14] =	ssyncset.done $0x0  }
0x142: {  	[sflag:s14] =	ssyncadd.s32 $0xFFFFF800  }
0x143: {  	_ =	swait.ge [sflag:s14], $0x800  }
0x144: {  	[sflag:s14] =	ssyncset.done $0x0  }
0x145: {  	[sflag:s14] =	ssyncadd.s32 $0xFFFFF800  }
0x146: {  	_ =	swait.ge [sflag:s14], $0x800  }
0x147: {  	[sflag:s14] =	ssyncset.done $0x0  }
0x148: {  	[sflag:s14] =	ssyncadd.s32 $0xFFFFF800  }
0x149: {  	_ =	swait.ge [sflag:s14], $0x800  }
0x14a: {  	[sflag:s14] =	ssyncset.done $0x0  }
0x14b: {  	[sflag:s14] =	ssyncadd.s32 $0xFFFFF800  }
0x14c: {  	_ =	swait.ge [sflag:s14], $0x800  }
0x14d: {  	[sflag:s14] =	ssyncset.done $0x0  }
0x14e: {  	[sflag:s14] =	ssyncadd.s32 $0xFFFFF800  }
0x14f: {  	_ =	swait.ge [sflag:s14], $0x800  }
0x150: {  	[sflag:s14] =	ssyncset.done $0x0  }
0x151: {  	[sflag:s14] =	ssyncadd.s32 $0xFFFFF800  }
0x152: {  	_ =	swait.ge [sflag:s14], $0x800  }
0x153: {  	[sflag:s14] =	ssyncset.done $0x0  }
0x154: {  	p1 =	sne.s32 s6, $0x410;
	[sflag:s14] =	ssyncadd.s32 $0xFFFFF800  }
.Ltmp1:
0x155: {  	_ =	swait.ge [sflag:s14], $0x800;
	(pc) =	sbr.rel @p1 .LBB2_4-.Ltmp1, $4  }
0x156: {  	[sflag:s14] =	ssyncset.done $0x0  }
0x157: {  	[sflag:s14] =	ssyncadd.s32 $0xFFFFF800  }
0x158: {  	_ =	swait.ge [sflag:s14], $0x800  }
0x159: {  	s6 =	sadd.s32 $0xD0, s6;
	s5 =	rddreg [dreg:$0x6];
	[sflag:s14] =	ssyncset.done $0x0  }
0x15a: {  	s6 =	rddreg [dreg:$0x5];
	[sflag:s14] =	ssyncadd.s32 $0xFFFFF800;
	s5 =	sadd.s32 s10, s5  }
0x15b: {  	[tilespmem:s4], [sflag:$0x1] =	stream.linear.gather [hbm4b:s5+s4], $0x680, $0x38;
	[tilespmem:$0xED00] =	vst v63  }
0x15c: {  	s10 =	sadd.s32 s10, s6  }
0x15d: {  	[tilespmem:s16], [sflag:$0x1] =	stream.linear.gather [hbm4b:s10+s4], $0x680, $0x38;
	[tilespmem:$0xED00] =	vst v63  }
0x15e: {  	s12 =	sadd.s32 $0xD00, s13  }
0x15f: {  	[tilespmem:s17], [sflag:$0x1] =	stream.linear.gather [hbm4b:s12+s4], $0x6800, $0x38;
	[tilespmem:$0xED00] =	vst v63  }
0x160: {  	_ =	swait.ge [sflag:s18], $0x680  }
0x161: {  	[sflag:s18] =	ssyncset.done $0x0  }
0x162: {  	[sflag:s18] =	ssyncadd.s32 $0xFFFFF980  }
0x163: {  	_ =	swait.ge [sflag:s18], $0x680  }
0x164: {  	[sflag:s18] =	ssyncset.done $0x0  }
0x165: {  	[sflag:s18] =	ssyncadd.s32 $0xFFFFF980  }
0x166: {  	_ =	swait.ge [sflag:s18], $0x6800  }
0x167: {  	[sflag:s18] =	ssyncset.done $0x0  }
0x168: {  	[sflag:s18] =	ssyncadd.s32 $0xFFFF9800  }
0x169: {  	[spmem:s1] =	stream.indirect.scatter.add.f32 [tilespmem:s17], [sflag:$0x2], $0x10, s4, s19, $0xb8;
	[tilespmem:$0xED00] =	vst v63  }
0x16a: {  	_ = 	snop  }
0x16b: {  	[spmem:s2] =	stream.indirect.scatter.add.f32 [tilespmem:s17], [sflag:$0x2], $0x10, s16, s19, $0xb8;
	[tilespmem:$0xED00] =	vst v63  }
0x16c: {  	_ = 	snop  }
0x16d: {  	[spmem:s1] =	stream.indirect.scatter.add.f32 [tilespmem:s20], [sflag:$0x2], $0x10, s19, s19, $0xb8;
	[tilespmem:$0xED00] =	vst v63  }
0x16e: {  	s13 =	rddreg [dreg:$0x7]  }
0x16f: {  	[spmem:s2] =	stream.indirect.scatter.add.f32 [tilespmem:s20], [sflag:$0x2], $0x10, s13, s19, $0xb8;
	[tilespmem:$0xED00] =	vst v63  }
0x170: {  	s15 =	rddreg [dreg:$0x8]  }
0x171: {  	[spmem:s1] =	stream.indirect.scatter.add.f32 [tilespmem:s21], [sflag:$0x2], $0x10, s15, s19, $0xb8;
	[tilespmem:$0xED00] =	vst v63  }
0x172: {  	s10 =	rddreg [dreg:$0x9]  }
0x173: {  	[spmem:s2] =	stream.indirect.scatter.add.f32 [tilespmem:s21], [sflag:$0x2], $0x10, s10, s19, $0xb8;
	[tilespmem:$0xED00] =	vst v63  }
0x174: {  	s12 =	rddreg [dreg:$0xa]  }
0x175: {  	[spmem:s1] =	stream.indirect.scatter.add.f32 [tilespmem:s22], [sflag:$0x2], $0x10, s12, s19, $0xb8;
	[tilespmem:$0xED00] =	vst v63  }
0x176: {  	s13 =	rddreg [dreg:$0xb]  }
0x177: {  	[spmem:s2] =	stream.indirect.scatter.add.f32 [tilespmem:s22], [sflag:$0x2], $0x10, s13, s19, $0xb8;
	[tilespmem:$0xED00] =	vst v63  }
0x178: {  	s15 =	rddreg [dreg:$0xc]  }
0x179: {  	[spmem:s1] =	stream.indirect.scatter.add.f32 [tilespmem:s23], [sflag:$0x2], $0x10, s15, s19, $0xb8;
	[tilespmem:$0xED00] =	vst v63  }
0x17a: {  	s10 =	rddreg [dreg:$0xd]  }
0x17b: {  	[spmem:s2] =	stream.indirect.scatter.add.f32 [tilespmem:s23], [sflag:$0x2], $0x10, s10, s19, $0xb8;
	[tilespmem:$0xED00] =	vst v63  }
0x17c: {  	s12 =	rddreg [dreg:$0xe]  }
0x17d: {  	[spmem:s1] =	stream.indirect.scatter.add.f32 [tilespmem:s24], [sflag:$0x2], $0x10, s12, s19, $0xb8;
	[tilespmem:$0xED00] =	vst v63  }
0x17e: {  	s13 =	rddreg [dreg:$0xf]  }
0x17f: {  	[spmem:s2] =	stream.indirect.scatter.add.f32 [tilespmem:s24], [sflag:$0x2], $0x10, s13, s19, $0xb8;
	[tilespmem:$0xED00] =	vst v63  }
0x180: {  	s15 =	rddreg [dreg:$0x10]  }
0x181: {  	[spmem:s1] =	stream.indirect.scatter.add.f32 [tilespmem:s25], [sflag:$0x2], $0x10, s15, s19, $0xb8;
	[tilespmem:$0xED00] =	vst v63  }
0x182: {  	s10 =	rddreg [dreg:$0x11]  }
0x183: {  	[spmem:s2] =	stream.indirect.scatter.add.f32 [tilespmem:s25], [sflag:$0x2], $0x10, s10, s19, $0xb8;
	[tilespmem:$0xED00] =	vst v63  }
0x184: {  	s12 =	rddreg [dreg:$0x12]  }
0x185: {  	[spmem:s1] =	stream.indirect.scatter.add.f32 [tilespmem:s26], [sflag:$0x2], $0x10, s12, s19, $0xb8;
	[tilespmem:$0xED00] =	vst v63  }
0x186: {  	s13 =	rddreg [dreg:$0x13]  }
0x187: {  	[spmem:s2] =	stream.indirect.scatter.add.f32 [tilespmem:s26], [sflag:$0x2], $0x10, s13, s19, $0xb8;
	[tilespmem:$0xED00] =	vst v63  }
0x188: {  	s15 =	rddreg [dreg:$0x14]  }
0x189: {  	[spmem:s1] =	stream.indirect.scatter.add.f32 [tilespmem:s28], [sflag:$0x2], $0x10, s15, s19, $0xb8;
	[tilespmem:$0xED00] =	vst v63  }
0x18a: {  	s10 =	rddreg [dreg:$0x15]  }
0x18b: {  	[spmem:s2] =	stream.indirect.scatter.add.f32 [tilespmem:s28], [sflag:$0x2], $0x10, s10, s19, $0xb8;
	[tilespmem:$0xED00] =	vst v63  }
0x18c: {  	s12 =	rddreg [dreg:$0x16]  }
0x18d: {  	[spmem:s1] =	stream.indirect.scatter.add.f32 [tilespmem:s29], [sflag:$0x2], $0x10, s12, s19, $0xb8;
	[tilespmem:$0xED00] =	vst v63  }
0x18e: {  	s13 =	rddreg [dreg:$0x17]  }
0x18f: {  	[spmem:s2] =	stream.indirect.scatter.add.f32 [tilespmem:s29], [sflag:$0x2], $0x10, s13, s19, $0xb8;
	[tilespmem:$0xED00] =	vst v63  }
0x190: {  	s15 =	rddreg [dreg:$0x18]  }
0x191: {  	[spmem:s1] =	stream.indirect.scatter.add.f32 [tilespmem:s30], [sflag:$0x2], $0x10, s15, s19, $0xb8;
	[tilespmem:$0xED00] =	vst v63  }
0x192: {  	_ = 	snop  }
0x193: {  	[spmem:s2] =	stream.indirect.scatter.add.f32 [tilespmem:s30], [sflag:$0x2], $0x10, s31, s19, $0xb8;
	[tilespmem:$0xED00] =	vst v63  }
0x194: {  	_ = 	snop  }
0x195: {  	[spmem:s1] =	stream.indirect.scatter.add.f32 [tilespmem:s3], [sflag:$0x2], $0x10, s0, s19, $0xb8;
	[tilespmem:$0xED00] =	vst v63  }
0x196: {  	_ = 	snop  }
0x197: {  	[spmem:s2] =	stream.indirect.scatter.add.f32 [tilespmem:s3], [sflag:$0x2], $0x10, s7, s19, $0xb8;
	[tilespmem:$0xED00] =	vst v63  }
0x198: {  	_ = 	snop  }
0x199: {  	[spmem:s1] =	stream.indirect.scatter.add.f32 [tilespmem:s9], [sflag:$0x2], $0x10, s8, s19, $0xb8;
	[tilespmem:$0xED00] =	vst v63  }
0x19a: {  	_ = 	snop  }
0x19b: {  	[spmem:s2] =	stream.indirect.scatter.add.f32 [tilespmem:s9], [sflag:$0x2], $0x10, s11, s19, $0xb8;
	[tilespmem:$0xED00] =	vst v63  }
0x19c: {  	_ =	swait.ge [sflag:s14], $0x800  }
0x19d: {  	[sflag:s14] =	ssyncset.done $0x0  }
0x19e: {  	[sflag:s14] =	ssyncadd.s32 $0xFFFFF800  }
0x19f: {  	_ =	swait.ge [sflag:s14], $0x800  }
0x1a0: {  	[sflag:s14] =	ssyncset.done $0x0  }
0x1a1: {  	[sflag:s14] =	ssyncadd.s32 $0xFFFFF800  }
0x1a2: {  	_ =	swait.ge [sflag:s14], $0x800  }
0x1a3: {  	[sflag:s14] =	ssyncset.done $0x0  }
0x1a4: {  	[sflag:s14] =	ssyncadd.s32 $0xFFFFF800  }
0x1a5: {  	_ =	swait.ge [sflag:s14], $0x800  }
0x1a6: {  	[sflag:s14] =	ssyncset.done $0x0  }
0x1a7: {  	[sflag:s14] =	ssyncadd.s32 $0xFFFFF800  }
0x1a8: {  	_ =	swait.ge [sflag:s14], $0x800  }
0x1a9: {  	[sflag:s14] =	ssyncset.done $0x0  }
0x1aa: {  	[sflag:s14] =	ssyncadd.s32 $0xFFFFF800  }
0x1ab: {  	_ =	swait.ge [sflag:s14], $0x800  }
0x1ac: {  	[sflag:s14] =	ssyncset.done $0x0  }
0x1ad: {  	[sflag:s14] =	ssyncadd.s32 $0xFFFFF800  }
0x1ae: {  	_ =	swait.ge [sflag:s14], $0x800  }
0x1af: {  	[sflag:s14] =	ssyncset.done $0x0  }
0x1b0: {  	[sflag:s14] =	ssyncadd.s32 $0xFFFFF800  }
0x1b1: {  	_ =	swait.ge [sflag:s14], $0x800  }
0x1b2: {  	[sflag:s14] =	ssyncset.done $0x0  }
0x1b3: {  	[sflag:s14] =	ssyncadd.s32 $0xFFFFF800  }
0x1b4: {  	_ =	swait.ge [sflag:s14], $0x800  }
0x1b5: {  	[sflag:s14] =	ssyncset.done $0x0  }
0x1b6: {  	[sflag:s14] =	ssyncadd.s32 $0xFFFFF800  }
0x1b7: {  	_ =	swait.ge [sflag:s14], $0x800  }
0x1b8: {  	[sflag:s14] =	ssyncset.done $0x0  }
0x1b9: {  	[sflag:s14] =	ssyncadd.s32 $0xFFFFF800  }
0x1ba: {  	_ =	swait.ge [sflag:s14], $0x800  }
0x1bb: {  	[sflag:s14] =	ssyncset.done $0x0  }
0x1bc: {  	[sflag:s14] =	ssyncadd.s32 $0xFFFFF800  }
0x1bd: {  	_ =	swait.ge [sflag:s14], $0x800  }
0x1be: {  	[sflag:s14] =	ssyncset.done $0x0  }
0x1bf: {  	[sflag:s14] =	ssyncadd.s32 $0xFFFFF800  }
0x1c0: {  	_ =	swait.ge [sflag:s14], $0x800  }
0x1c1: {  	[sflag:s14] =	ssyncset.done $0x0  }
0x1c2: {  	[sflag:s14] =	ssyncadd.s32 $0xFFFFF800  }
0x1c3: {  	_ =	swait.ge [sflag:s14], $0x800  }
0x1c4: {  	[sflag:s14] =	ssyncset.done $0x0  }
0x1c5: {  	[sflag:s14] =	ssyncadd.s32 $0xFFFFF800  }
0x1c6: {  	_ =	swait.ge [sflag:s14], $0x800  }
0x1c7: {  	[sflag:s14] =	ssyncset.done $0x0  }
0x1c8: {  	[sflag:s14] =	ssyncadd.s32 $0xFFFFF800  }
0x1c9: {  	_ =	swait.ge [sflag:s14], $0x800  }
0x1ca: {  	[sflag:s14] =	ssyncset.done $0x0  }
0x1cb: {  	[sflag:s14] =	ssyncadd.s32 $0xFFFFF800  }
0x1cc: {  	_ =	swait.ge [sflag:s14], $0x800  }
0x1cd: {  	[sflag:s14] =	ssyncset.done $0x0  }
0x1ce: {  	[sflag:s14] =	ssyncadd.s32 $0xFFFFF800  }
0x1cf: {  	_ =	swait.ge [sflag:s14], $0x800  }
0x1d0: {  	[sflag:s14] =	ssyncset.done $0x0  }
0x1d1: {  	[sflag:s14] =	ssyncadd.s32 $0xFFFFF800  }
0x1d2: {  	_ =	swait.ge [sflag:s14], $0x800  }
0x1d3: {  	[sflag:s14] =	ssyncset.done $0x0  }
0x1d4: {  	[sflag:s14] =	ssyncadd.s32 $0xFFFFF800  }
0x1d5: {  	_ =	swait.ge [sflag:s14], $0x800  }
0x1d6: {  	[sflag:s14] =	ssyncset.done $0x0  }
0x1d7: {  	[sflag:s14] =	ssyncadd.s32 $0xFFFFF800  }
0x1d8: {  	_ =	swait.ge [sflag:s14], $0x800  }
0x1d9: {  	[sflag:s14] =	ssyncset.done $0x0  }
0x1da: {  	[sflag:s14] =	ssyncadd.s32 $0xFFFFF800  }
0x1db: {  	_ =	swait.ge [sflag:s14], $0x800  }
0x1dc: {  	[sflag:s14] =	ssyncset.done $0x0  }
0x1dd: {  	[sflag:s14] =	ssyncadd.s32 $0xFFFFF800  }
0x1de: {  	_ =	swait.ge [sflag:s14], $0x800  }
0x1df: {  	[sflag:s14] =	ssyncset.done $0x0  }
0x1e0: {  	[sflag:s14] =	ssyncadd.s32 $0xFFFFF800  }
0x1e1: {  	_ =	swait.ge [sflag:s14], $0x800  }
0x1e2: {  	[sflag:s14] =	ssyncset.done $0x0  }
0x1e3: {  	[sflag:s14] =	ssyncadd.s32 $0xFFFFF800  }
0x1e4: {  	_ =	swait.ge [sflag:s14], $0x800  }
0x1e5: {  	[sflag:s14] =	ssyncset.done $0x0  }
0x1e6: {  	[sflag:s14] =	ssyncadd.s32 $0xFFFFF800  }
0x1e7: {  	_ =	swait.ge [sflag:s14], $0x800  }
0x1e8: {  	[sflag:s14] =	ssyncset.done $0x0  }
0x1e9: {  	s5 =	simm.s32 @!p0 $0x0;
	s6 =	rddreg [dreg:$0x1b];
	[sflag:s14] =	ssyncadd.s32 $0xFFFFF800  }
0x1ea: {  	[tilespmem:s5], [sflag:$0x3] =	stream.linear.gather @!p0 [hbm4b:s6+s5], $0x80, $0x38;
	[tilespmem:$0xED00] =	vst v63  }
0x1eb: {  	s6 =	simm.s32 @!p0 $0x3  }
0x1ec: {  	_ =	swait.ge @!p0 [sflag:s6], $0x80  }
0x1ed: {  	[sflag:s6] =	ssyncset.done @!p0 $0x0  }
0x1ee: {  	s10 =	simm.s32 @!p0 $0x680;
	s12 =	rddreg [dreg:$0x1c];
	[sflag:s6] =	ssyncadd.s32 @!p0 $0xFFFFFF80  }
0x1ef: {  	[tilespmem:s10], [sflag:$0x3] =	stream.linear.gather @!p0 [hbm4b:s12+s5], $0x80, $0x38;
	[tilespmem:$0xED00] =	vst v63  }
0x1f0: {  	_ =	swait.ge @!p0 [sflag:s6], $0x80  }
0x1f1: {  	[sflag:s6] =	ssyncset.done @!p0 $0x0  }
0x1f2: {  	s12 =	simm.s32 @!p0 $0xD00;
	s13 =	rddreg [dreg:$0x1d];
	[sflag:s6] =	ssyncadd.s32 @!p0 $0xFFFFFF80  }
0x1f3: {  	[tilespmem:s12], [sflag:$0x3] =	stream.linear.gather @!p0 [hbm4b:s13+s5], $0x800, $0x38;
	[tilespmem:$0xED00] =	vst v63  }
0x1f4: {  	_ =	swait.ge @!p0 [sflag:s6], $0x800  }
0x1f5: {  	[sflag:s6] =	ssyncset.done @!p0 $0x0  }
0x1f6: {  	s13 =	simm.s32 @!p0 $0x80;
	[sflag:s6] =	ssyncadd.s32 @!p0 $0xFFFFF800  }
0x1f7: {  	[spmem:s1] =	stream.indirect.scatter.add.f32 @!p0 [tilespmem:s12], [sflag:$0x3], $0x10, s5, s13, $0xb8;
	[tilespmem:$0xED00] =	vst v63  }
0x1f8: {  	_ =	swait.ge @!p0 [sflag:s6], $0x800  }
0x1f9: {  	[sflag:s6] =	ssyncset.done @!p0 $0x0  }
0x1fa: {  	[sflag:s6] =	ssyncadd.s32 @!p0 $0xFFFFF800  }
0x1fb: {  	[spmem:s2] =	stream.indirect.scatter.add.f32 @!p0 [tilespmem:s12], [sflag:$0x3], $0x10, s10, s13, $0xb8;
	[tilespmem:$0xED00] =	vst v63  }
0x1fc: {  	_ =	swait.ge @!p0 [sflag:s6], $0x800  }
0x1fd: {  	[sflag:s6] =	ssyncset.done @!p0 $0x0  }
0x1fe: {  	[sflag:s6] =	ssyncadd.s32 @!p0 $0xFFFFF800  }
0x1ff: {  	s6 =	stileid.u32;
	[bflag:$0x0] =	sbarrier.arrive $0xFFFF  }
0x200: {  	s5 =	sshll.u32 s6, $0x6;
	s10 =	rddreg [dreg:$0x19]  }
0x201: {  	s5 =	sor.u32 $0x1C03, s5;
	s12 =	rddreg [dreg:$0x1e];
	s6 =	sshrl.u32 s10, $0x3  }
0x202: {  	[hbm:s12], [sflag:s5] =	dma.local [spmem:s6], $0x500  }
0x203: {  	s12 =	simm.s32 $0x3  }
0x204: {  	_ =	swait.ge [sflag:s12], $0x500  }
0x205: {  	[sflag:s12] =	ssyncset.done $0x0;
	s13 =	rddreg [dreg:$0x1a]  }
0x206: {  	s15 =	rddreg [dreg:$0x1f];
	[sflag:s12] =	ssyncadd.s32 $0xFFFFFB00;
	s6 =	sshrl.u32 s13, $0x3  }
0x207: {  	[hbm:s15], [sflag:s5] =	dma.local [spmem:s6], $0x500  }
0x208: {  	_ =	swait.ge [sflag:s12], $0x500  }
0x209: {  	s13 =	sld [smem:$0x7FB]  }
0x20a: {  	s15 =	sld [smem:$0x7FC];
	_ =	sdelay $0x1  }
0x20b: {  	s6 =	sadd.s32 $0x1, s13  }
0x20c: {  	p1 =	sne.s32 s6, s15  }
.Ltmp2:
0x20d: {  	_ = 	snop;
	(pc) =	sbr.rel @p1 .LBB2_1-.Ltmp2, $3  }
0x20e: {  	_ =	sdelay $0x1  }
0x20f: {  	[sflag:s12] =	ssyncset.done $0x0  }
0x210: {  	[sflag:s12] =	ssyncadd.s32 $0xFFFFFB00  }
0x211: {  	_ =	sfence.sel $0x180000  }
0x212: {  	[bflag:$0x0] =	sbarrier.arrive $0xFFFF  }
0x213: {  	_ =	strace $0x90000047  }
0x214: {  	s0 =	stileid.u32;
	[bflag:$0x2] =	sbarrier.arrive $0xFFFF  }
0x215: {  	p0 =	sne.s32 s0, $0x0;
	s0 =	rddreg [dreg:$0x4]  }
0x216: {  	s0 =	sadd.s32 @!p0 $0x100000, s0  }
0x217: {  	[sflag:s0] =	ssyncadd.tile.s32 @!p0 $0x1;
	_ =	shalt  }
.Lfunc_end2:
_tile_overlayer_lowered:
.L_overlay_start_2:
0x218: {  	(tag) =	ssettag $0x2  }
0x219: {  	s0 =	rddreg [dreg:$0x0];
	s2 =	stileid.u32  }
0x21a: {  	s1 =	rddreg [dreg:$0x1];
	p0 =	sne.s32 s2, $0x0  }
0x21b: {  	s3 =	rddreg [dreg:$0x2];
	[bflag:$0x3] =	sbarrier.arrive $0xFFFF;
	s2 =	simm.s32 @!p0 $0x1C03  }
0x21c: {  	[timem:s3], [sflag:s2] =	dma.local @!p0 [hbm:s0], s1  }
0x21d: {  	s0 =	simm.s32 @!p0 $0x3  }
0x21e: {  	_ =	swait.ge @!p0 [sflag:s0], s1  }
0x21f: {  	s1 =	ssub.s32 @!p0 $0x0, s1;
	[sflag:s0] =	ssyncset.done @!p0 $0x0  }
0x220: {  	[sflag:s0] =	ssyncadd.s32 @!p0 s1  }
0x221: {  	[bflag:$0x3] =	sbarrier.arrive $0xFFFF  }
0x222: {  	_ =	shalt  }

</sc_bundles>
